<compile_context>
chip_gen: v7x
topology: tpu7x:2x2x1
jax: 0.10.2.dev20260603
libtpu: 0.0.44.dev20260713+nightly
codegen_flags: <defaults>
</compile_context>

<pallas_src>
import functools

import jax
import jax.numpy as jnp
from jax import lax
from jax.experimental import pallas as pl
from jax.experimental.pallas import tpu as pltpu
from jax.experimental.pallas import tpu_sc as plsc

_N = 2048
_K = 8
_SCALE = 1.0 / (2048.0 ** 0.5)
_ROWS_PER_BLOCK = 256

_NC = 2
_NS = 16
_NW = _NC * _NS
_TOTAL_ROWS = 32 * 32
_ROWS_PER_W = _TOTAL_ROWS // _NW
_PAIRS_PER_W = _ROWS_PER_W // 2
_NBUF = 4


def _topk_body(x_ref, g_ref, i_ref):
    rows = x_ref.shape[0]
    lanes_f = lax.broadcasted_iota(
        jnp.int32, (rows, _N), 1).astype(jnp.float32)
    neg_inf = jnp.float32(float("-inf"))
    big = jnp.float32(1e9)
    xw = x_ref[...]
    vals = []
    idxs = []
    for _ in range(_K):
        mi = jnp.max(xw, axis=-1, keepdims=True)
        eq = xw == mi
        amin = jnp.min(jnp.where(eq, lanes_f, big), axis=-1, keepdims=True)
        vals.append(mi)
        idxs.append(amin)
        xw = jnp.where(lanes_f == amin, neg_inf, xw)
    v = jnp.concatenate(vals, axis=1)
    e = jnp.exp((v - v[:, 0:1]) * _SCALE)
    g_ref[...] = e / jnp.sum(e, axis=-1, keepdims=True)
    i_ref[...] = jnp.concatenate(idxs, axis=1).astype(jnp.int32)


def _topk_compact(x):
    rows = x.shape[0]
    grid = rows // _ROWS_PER_BLOCK
    return pl.pallas_call(
        _topk_body,
        grid=(grid,),
        in_specs=[pl.BlockSpec((_ROWS_PER_BLOCK, _N), lambda i: (i, 0))],
        out_specs=[
            pl.BlockSpec((_ROWS_PER_BLOCK, _K), lambda i: (i, 0)),
            pl.BlockSpec((_ROWS_PER_BLOCK, _K), lambda i: (i, 0)),
        ],
        out_shape=[
            jax.ShapeDtypeStruct((rows, _K), jnp.float32),
            jax.ShapeDtypeStruct((rows, _K), jnp.int32),
        ],
    )(x)


def _sc_scatter(gates_flat, idx_flat):
    mesh = plsc.VectorSubcoreMesh(core_axis_name="c", subcore_axis_name="s", num_cores=_NC)

    @functools.partial(
        pl.kernel,
        out_type=jax.ShapeDtypeStruct((_TOTAL_ROWS, _N), jnp.float32),
        mesh=mesh,
        compiler_params=pltpu.CompilerParams(needs_layout_passes=False),
        scratch_types=[
            pltpu.VMEM((_ROWS_PER_W * _K,), jnp.float32),
            pltpu.VMEM((_ROWS_PER_W * _K,), jnp.int32),
            pltpu.VMEM((_NBUF, 2, _N), jnp.float32),
            pltpu.SemaphoreType.DMA((_NBUF,)),
        ],
    )
    def scatter_kernel(g_hbm, i_hbm, out_hbm, g_v, i_v, ring_v, sems):
        wid = lax.axis_index("s") * _NC + lax.axis_index("c")
        base = wid * _ROWS_PER_W

        pltpu.sync_copy(g_hbm.at[pl.ds(base * _K, _ROWS_PER_W * _K)], g_v)
        pltpu.sync_copy(i_hbm.at[pl.ds(base * _K, _ROWS_PER_W * _K)], i_v)

        zeros = jnp.zeros((16,), jnp.float32)

        def zero_body(j, carry):
            ring_v[0, 0, pl.ds(j * 16, 16)] = zeros
            ring_v[0, 1, pl.ds(j * 16, 16)] = zeros
            ring_v[1, 0, pl.ds(j * 16, 16)] = zeros
            ring_v[1, 1, pl.ds(j * 16, 16)] = zeros
            ring_v[2, 0, pl.ds(j * 16, 16)] = zeros
            ring_v[2, 1, pl.ds(j * 16, 16)] = zeros
            ring_v[3, 0, pl.ds(j * 16, 16)] = zeros
            ring_v[3, 1, pl.ds(j * 16, 16)] = zeros
            return carry

        lax.fori_loop(0, _N // 16, zero_body, 0)

        lane = lax.iota(jnp.int32, 16)
        row_sel = lane >> 3

        copies = [None] * _NBUF
        for p in range(_PAIRS_PER_W):
            b = p % _NBUF
            buf = ring_v.at[b]
            if p >= _NBUF:
                copies[b].wait()
                old = i_v[pl.ds((p - _NBUF) * 16, 16)]
                plsc.store_scatter(buf, [row_sel, old], zeros)
            idx16 = i_v[pl.ds(p * 16, 16)]
            g16 = g_v[pl.ds(p * 16, 16)]
            plsc.store_scatter(buf, [row_sel, idx16], g16)
            copies[b] = pltpu.async_copy(
                buf, out_hbm.at[pl.ds(base + 2 * p, 2)], sems.at[b]
            )
        for b in range(_NBUF):
            copies[b].wait()

    return scatter_kernel(gates_flat, idx_flat)


@jax.jit
def kernel(attn, w_noise):
    del w_noise
    b, s, n = attn.shape
    rows = b * s
    x = attn.reshape(rows, n)
    gates, idx = _topk_compact(x)
    out = _sc_scatter(gates.reshape(-1), idx.reshape(-1))
    return out.reshape(b, s, n)

# --- scband reference (transcript-rebuilt; emitter-appended) ---
"""Pipeline reference for scband-top-kscores-47038481825971 (READ-ONLY COPY).

The authoritative reference and input builder live on the scoring server;
editing this copy changes nothing except your own understanding.
"""

import jax, jax.numpy as jnp
import numpy as np

INPUT_DIM = 2048
N_VARS = 2048
TOP_K = 8

def setup_inputs(seed: int = 0) -> dict:
    key = jax.random.key(seed)
    k1, _ = jax.random.split(key)
    attn = jax.random.normal(k1, (32, 32, N_VARS), dtype=jnp.float32)
    # learned parameter, initialized to zeros as in the torch module
    w_noise = jnp.zeros((N_VARS, N_VARS), dtype=jnp.float32)
    return {"attn": attn, "w_noise": w_noise}

def reference(attn, w_noise):
    # eval-mode path: logits = clean_logits (no noise injection)
    logits = attn
    kk = min(TOP_K + 1, N_VARS)
    top_logits, top_indices = jax.lax.top_k(logits, kk)
    top_k_logits = top_logits[:, :, :TOP_K]
    top_k_indices = top_indices[:, :, :TOP_K]
    top_k_gates = jax.nn.softmax(top_k_logits / (INPUT_DIM ** 0.5), axis=-1)
    zeros = jnp.zeros_like(logits)
    B, S, _ = logits.shape
    b_idx = jnp.arange(B)[:, None, None]
    s_idx = jnp.arange(S)[None, :, None]
    sparse_attn = zeros.at[b_idx, s_idx, top_k_indices].set(top_k_gates)
    return sparse_attn

if __name__ == "__main__":
    import jax
    _d = setup_inputs()
    print(jax.jit(kernel)(*tuple(_d.values())))

</pallas_src>

<mosaic_0001>
#map = affine_map<(d0, d1) -> (0)>
#map1 = affine_map<(d0, d1) -> (0, 0)>
module attributes {stable_mosaic.version = 14 : i64} {
  func.func @scatter_kernel(%arg0: i32, %arg1: i32, %arg2: memref<8192xf32, #tpu.memory_space<hbm>>, %arg3: memref<8192xi32, #tpu.memory_space<hbm>>, %arg4: memref<1024x2048xf32, #tpu.memory_space<hbm>>, %arg5: memref<256xf32, #tpu.memory_space<vmem>>, %arg6: memref<256xi32, #tpu.memory_space<vmem>>, %arg7: memref<4x2x2048xf32, #tpu.memory_space<vmem>>, %arg8: memref<4x!tpu.dma_semaphore, #tpu.memory_space<semaphore_mem>>) attributes {dimension_semantics = [#tpu.dimension_semantics<core_parallel>, #tpu.dimension_semantics<subcore_parallel>], iteration_bounds = array<i64: 2, 16>, scalar_prefetch = 0 : i64, scratch_operands = 4 : i64, tpu.core_type = #tpu.core_type<sc_vector_subcore>, window_params = [{transform_indices = #map}, {transform_indices = #map}, {transform_indices = #map1}]} {
    %mul3A = arith.constant 2 : i32
    %mul3A_0 = arith.muli %arg1, %mul3A : i32
    %add3A = arith.addi %mul3A_0, %arg0 : i32
    %mul3A_1 = arith.constant 32 : i32
    %mul3A_2 = arith.muli %add3A, %mul3A_1 : i32
    %mul3A_3 = arith.constant 8 : i32
    %mul3A_4 = arith.muli %mul3A_2, %mul3A_3 : i32
    "tpu.region"() ({
      %run_scoped3A = tpu.sem_alloc : memref<!tpu.dma_semaphore, #tpu.memory_space<semaphore_mem>>
      %dma_start3A_783 = tpu.memref_slice %arg2[%mul3A_4] : memref<8192xf32, #tpu.memory_space<hbm>> -> memref<256xf32, #tpu.memory_space<hbm>>
      %dma_start3A_784 = tpu.memref_slice %arg2[%mul3A_4] : memref<8192xf32, #tpu.memory_space<hbm>> -> memref<256xf32, #tpu.memory_space<hbm>>
      tpu.enqueue_dma source(%dma_start3A_784 : memref<256xf32, #tpu.memory_space<hbm>>) target(%arg5 : memref<256xf32, #tpu.memory_space<vmem>>) target_semaphore(%run_scoped3A : memref<!tpu.dma_semaphore, #tpu.memory_space<semaphore_mem>>)
      %dma_wait3A_785 = tpu.memref_slice %arg2[%mul3A_4] : memref<8192xf32, #tpu.memory_space<hbm>> -> memref<256xf32, #tpu.memory_space<hbm>>
      %dma_wait3A_786 = tpu.memref_slice %arg2[%mul3A_4] : memref<8192xf32, #tpu.memory_space<hbm>> -> memref<256xf32, #tpu.memory_space<hbm>>
      tpu.wait_dma2 semaphore(%run_scoped3A : memref<!tpu.dma_semaphore, #tpu.memory_space<semaphore_mem>>) src(%dma_wait3A_786 : memref<256xf32, #tpu.memory_space<hbm>>) dst(%arg5 : memref<256xf32, #tpu.memory_space<vmem>>)
      tpu.yield
    }) : () -> ()
    %mul3A_5 = arith.constant 8 : i32
    %mul3A_6 = arith.muli %mul3A_2, %mul3A_5 : i32
    "tpu.region"() ({
      %run_scoped3A = tpu.sem_alloc : memref<!tpu.dma_semaphore, #tpu.memory_space<semaphore_mem>>
      %dma_start3A_783 = tpu.memref_slice %arg3[%mul3A_6] : memref<8192xi32, #tpu.memory_space<hbm>> -> memref<256xi32, #tpu.memory_space<hbm>>
      %dma_start3A_784 = tpu.memref_slice %arg3[%mul3A_6] : memref<8192xi32, #tpu.memory_space<hbm>> -> memref<256xi32, #tpu.memory_space<hbm>>
      tpu.enqueue_dma source(%dma_start3A_784 : memref<256xi32, #tpu.memory_space<hbm>>) target(%arg6 : memref<256xi32, #tpu.memory_space<vmem>>) target_semaphore(%run_scoped3A : memref<!tpu.dma_semaphore, #tpu.memory_space<semaphore_mem>>)
      %dma_wait3A_785 = tpu.memref_slice %arg3[%mul3A_6] : memref<8192xi32, #tpu.memory_space<hbm>> -> memref<256xi32, #tpu.memory_space<hbm>>
      %dma_wait3A_786 = tpu.memref_slice %arg3[%mul3A_6] : memref<8192xi32, #tpu.memory_space<hbm>> -> memref<256xi32, #tpu.memory_space<hbm>>
      tpu.wait_dma2 semaphore(%run_scoped3A : memref<!tpu.dma_semaphore, #tpu.memory_space<semaphore_mem>>) src(%dma_wait3A_786 : memref<256xi32, #tpu.memory_space<hbm>>) dst(%arg6 : memref<256xi32, #tpu.memory_space<vmem>>)
      tpu.yield
    }) : () -> ()
    %broadcast_in_dim3A = arith.constant 0.000000e+00 : f32
    %broadcast_in_dim3A_7 = vector.broadcast %broadcast_in_dim3A : f32 to vector<16xf32>
    %scan3A = arith.constant 0 : i32
    %scan3A_8 = arith.constant 0 : i32
    %scan3A_9 = arith.constant 128 : i32
    %scan3A_10 = arith.addi %scan3A_8, %scan3A_9 : i32
    %scan3A_11 = arith.constant 1 : i32
    scf.for %scan3A_783 = %scan3A_8 to %scan3A_10 step %scan3A_11  : i32 {
      %mul3A_784 = arith.constant 16 : i32
      %mul3A_785 = arith.muli %scan3A_783, %mul3A_784 : i32
      %swap3A = arith.constant 0 : i32
      %swap3A_786 = arith.constant 0 : i32
      %swap3A_787 = arith.index_cast %swap3A : i32 to index
      %swap3A_788 = arith.index_cast %swap3A_786 : i32 to index
      %swap3A_789 = arith.index_cast %mul3A_785 : i32 to index
      %swap3A_790 = tpu.vector_load %arg7[%swap3A_787, %swap3A_788, %swap3A_789] {strides = array<i32>} : memref<4x2x2048xf32, #tpu.memory_space<vmem>>, vector<16xf32>,
      tpu.vector_store %arg7[%swap3A_787, %swap3A_788, %swap3A_789], %broadcast_in_dim3A_7 {strides = array<i32>} : memref<4x2x2048xf32, #tpu.memory_space<vmem>>, vector<16xf32>,
      %mul3A_791 = arith.constant 16 : i32
      %mul3A_792 = arith.muli %scan3A_783, %mul3A_791 : i32
      %swap3A_793 = arith.constant 0 : i32
      %swap3A_794 = arith.constant 1 : i32
      %swap3A_795 = arith.index_cast %swap3A_793 : i32 to index
      %swap3A_796 = arith.index_cast %swap3A_794 : i32 to index
      %swap3A_797 = arith.index_cast %mul3A_792 : i32 to index
      %swap3A_798 = tpu.vector_load %arg7[%swap3A_795, %swap3A_796, %swap3A_797] {strides = array<i32>} : memref<4x2x2048xf32, #tpu.memory_space<vmem>>, vector<16xf32>,
      tpu.vector_store %arg7[%swap3A_795, %swap3A_796, %swap3A_797], %broadcast_in_dim3A_7 {strides = array<i32>} : memref<4x2x2048xf32, #tpu.memory_space<vmem>>, vector<16xf32>,
      %mul3A_799 = arith.constant 16 : i32
      %mul3A_800 = arith.muli %scan3A_783, %mul3A_799 : i32
      %swap3A_801 = arith.constant 1 : i32
      %swap3A_802 = arith.constant 0 : i32
      %swap3A_803 = arith.index_cast %swap3A_801 : i32 to index
      %swap3A_804 = arith.index_cast %swap3A_802 : i32 to index
      %swap3A_805 = arith.index_cast %mul3A_800 : i32 to index
      %swap3A_806 = tpu.vector_load %arg7[%swap3A_803, %swap3A_804, %swap3A_805] {strides = array<i32>} : memref<4x2x2048xf32, #tpu.memory_space<vmem>>, vector<16xf32>,
      tpu.vector_store %arg7[%swap3A_803, %swap3A_804, %swap3A_805], %broadcast_in_dim3A_7 {strides = array<i32>} : memref<4x2x2048xf32, #tpu.memory_space<vmem>>, vector<16xf32>,
      %mul3A_807 = arith.constant 16 : i32
      %mul3A_808 = arith.muli %scan3A_783, %mul3A_807 : i32
      %swap3A_809 = arith.constant 1 : i32
      %swap3A_810 = arith.constant 1 : i32
      %swap3A_811 = arith.index_cast %swap3A_809 : i32 to index
      %swap3A_812 = arith.index_cast %swap3A_810 : i32 to index
      %swap3A_813 = arith.index_cast %mul3A_808 : i32 to index
      %swap3A_814 = tpu.vector_load %arg7[%swap3A_811, %swap3A_812, %swap3A_813] {strides = array<i32>} : memref<4x2x2048xf32, #tpu.memory_space<vmem>>, vector<16xf32>,
      tpu.vector_store %arg7[%swap3A_811, %swap3A_812, %swap3A_813], %broadcast_in_dim3A_7 {strides = array<i32>} : memref<4x2x2048xf32, #tpu.memory_space<vmem>>, vector<16xf32>,
      %mul3A_815 = arith.constant 16 : i32
      %mul3A_816 = arith.muli %scan3A_783, %mul3A_815 : i32
      %swap3A_817 = arith.constant 2 : i32
      %swap3A_818 = arith.constant 0 : i32
      %swap3A_819 = arith.index_cast %swap3A_817 : i32 to index
      %swap3A_820 = arith.index_cast %swap3A_818 : i32 to index
      %swap3A_821 = arith.index_cast %mul3A_816 : i32 to index
      %swap3A_822 = tpu.vector_load %arg7[%swap3A_819, %swap3A_820, %swap3A_821] {strides = array<i32>} : memref<4x2x2048xf32, #tpu.memory_space<vmem>>, vector<16xf32>,
      tpu.vector_store %arg7[%swap3A_819, %swap3A_820, %swap3A_821], %broadcast_in_dim3A_7 {strides = array<i32>} : memref<4x2x2048xf32, #tpu.memory_space<vmem>>, vector<16xf32>,
      %mul3A_823 = arith.constant 16 : i32
      %mul3A_824 = arith.muli %scan3A_783, %mul3A_823 : i32
      %swap3A_825 = arith.constant 2 : i32
      %swap3A_826 = arith.constant 1 : i32
      %swap3A_827 = arith.index_cast %swap3A_825 : i32 to index
      %swap3A_828 = arith.index_cast %swap3A_826 : i32 to index
      %swap3A_829 = arith.index_cast %mul3A_824 : i32 to index
      %swap3A_830 = tpu.vector_load %arg7[%swap3A_827, %swap3A_828, %swap3A_829] {strides = array<i32>} : memref<4x2x2048xf32, #tpu.memory_space<vmem>>, vector<16xf32>,
      tpu.vector_store %arg7[%swap3A_827, %swap3A_828, %swap3A_829], %broadcast_in_dim3A_7 {strides = array<i32>} : memref<4x2x2048xf32, #tpu.memory_space<vmem>>, vector<16xf32>,
      %mul3A_831 = arith.constant 16 : i32
      %mul3A_832 = arith.muli %scan3A_783, %mul3A_831 : i32
      %swap3A_833 = arith.constant 3 : i32
      %swap3A_834 = arith.constant 0 : i32
      %swap3A_835 = arith.index_cast %swap3A_833 : i32 to index
      %swap3A_836 = arith.index_cast %swap3A_834 : i32 to index
      %swap3A_837 = arith.index_cast %mul3A_832 : i32 to index
      %swap3A_838 = tpu.vector_load %arg7[%swap3A_835, %swap3A_836, %swap3A_837] {strides = array<i32>} : memref<4x2x2048xf32, #tpu.memory_space<vmem>>, vector<16xf32>,
      tpu.vector_store %arg7[%swap3A_835, %swap3A_836, %swap3A_837], %broadcast_in_dim3A_7 {strides = array<i32>} : memref<4x2x2048xf32, #tpu.memory_space<vmem>>, vector<16xf32>,
      %mul3A_839 = arith.constant 16 : i32
      %mul3A_840 = arith.muli %scan3A_783, %mul3A_839 : i32
      %swap3A_841 = arith.constant 3 : i32
      %swap3A_842 = arith.constant 1 : i32
      %swap3A_843 = arith.index_cast %swap3A_841 : i32 to index
      %swap3A_844 = arith.index_cast %swap3A_842 : i32 to index
      %swap3A_845 = arith.index_cast %mul3A_840 : i32 to index
      %swap3A_846 = tpu.vector_load %arg7[%swap3A_843, %swap3A_844, %swap3A_845] {strides = array<i32>} : memref<4x2x2048xf32, #tpu.memory_space<vmem>>, vector<16xf32>,
      tpu.vector_store %arg7[%swap3A_843, %swap3A_844, %swap3A_845], %broadcast_in_dim3A_7 {strides = array<i32>} : memref<4x2x2048xf32, #tpu.memory_space<vmem>>, vector<16xf32>,
    }
    %scan3A_12 = arith.constant 128 : i32
    %iota3A = tpu.iota {dimensions = array<i32: 0>} : vector<16xi32>
    %shift_right_arithmetic3A = arith.constant 3 : i32
    %shift_right_arithmetic3A_13 = vector.broadcast %shift_right_arithmetic3A : i32 to vector<16xi32>
    %shift_right_arithmetic3A_14 = arith.shrsi %iota3A, %shift_right_arithmetic3A_13 : vector<16xi32>
    %get3A = arith.constant 0 : index
    %get3A_15 = tpu.vector_load %arg6[%get3A] {strides = array<i32>} : memref<256xi32, #tpu.memory_space<vmem>>, vector<16xi32>,
    %get3A_16 = arith.constant 0 : index
    %get3A_17 = tpu.vector_load %arg5[%get3A_16] {strides = array<i32>} : memref<256xf32, #tpu.memory_space<vmem>>, vector<16xf32>,
    %scatter3A = arith.constant 0 : i32
    %scatter3A_18 = arith.constant 0 : i32
    %scatter3A_19 = arith.constant 0 : i32
    %scatter3A_20 = tpu.memref_slice %arg7[%scatter3A, %scatter3A_18, %scatter3A_19] : memref<4x2x2048xf32, #tpu.memory_space<vmem>> -> memref<1x2x2048xf32, #tpu.memory_space<vmem>>
    %scatter3A_21 = tpu.memref_squeeze %scatter3A_20 : memref<1x2x2048xf32, #tpu.memory_space<vmem>> -> memref<2x2048xf32, #tpu.memory_space<vmem>>
    tpu.vector_store_idx %scatter3A_21[%shift_right_arithmetic3A_14, %get3A_15], %get3A_17 : memref<2x2048xf32, #tpu.memory_space<vmem>>[vector<16xi32>, vector<16xi32>], vector<16xf32>,
    %add3A_22 = arith.constant 0 : i32
    %add3A_23 = arith.addi %mul3A_2, %add3A_22 : i32
    %dma_start3A = arith.constant 0 : i32
    %dma_start3A_24 = arith.constant 0 : i32
    %dma_start3A_25 = arith.constant 0 : i32
    %dma_start3A_26 = arith.constant 0 : i32
    %dma_start3A_27 = tpu.memref_slice %arg7[%dma_start3A, %dma_start3A_25, %dma_start3A_26] : memref<4x2x2048xf32, #tpu.memory_space<vmem>> -> memref<1x2x2048xf32, #tpu.memory_space<vmem>>
    %dma_start3A_28 = tpu.memref_squeeze %dma_start3A_27 : memref<1x2x2048xf32, #tpu.memory_space<vmem>> -> memref<2x2048xf32, #tpu.memory_space<vmem>>
    %dma_start3A_29 = arith.constant 0 : i32
    %dma_start3A_30 = tpu.memref_slice %arg4[%add3A_23, %dma_start3A_29] : memref<1024x2048xf32, #tpu.memory_space<hbm>> -> memref<2x2048xf32, #tpu.memory_space<hbm>>
    %dma_start3A_31 = tpu.memref_slice %arg8[%dma_start3A_24] : memref<4x!tpu.dma_semaphore, #tpu.memory_space<semaphore_mem>> -> memref<1x!tpu.dma_semaphore, #tpu.memory_space<semaphore_mem>>
    %dma_start3A_32 = tpu.memref_squeeze %dma_start3A_31 : memref<1x!tpu.dma_semaphore, #tpu.memory_space<semaphore_mem>> -> memref<!tpu.dma_semaphore, #tpu.memory_space<semaphore_mem>>
    %dma_start3A_33 = arith.constant 0 : i32
    %dma_start3A_34 = tpu.memref_slice %arg4[%add3A_23, %dma_start3A_33] : memref<1024x2048xf32, #tpu.memory_space<hbm>> -> memref<2x2048xf32, #tpu.memory_space<hbm>>
    %dma_start3A_35 = arith.constant 0 : i32
    %dma_start3A_36 = arith.constant 0 : i32
    %dma_start3A_37 = tpu.memref_slice %arg7[%dma_start3A, %dma_start3A_35, %dma_start3A_36] : memref<4x2x2048xf32, #tpu.memory_space<vmem>> -> memref<1x2x2048xf32, #tpu.memory_space<vmem>>
    %dma_start3A_38 = tpu.memref_squeeze %dma_start3A_37 : memref<1x2x2048xf32, #tpu.memory_space<vmem>> -> memref<2x2048xf32, #tpu.memory_space<vmem>>
    tpu.enqueue_dma source(%dma_start3A_38 : memref<2x2048xf32, #tpu.memory_space<vmem>>) target(%dma_start3A_34 : memref<2x2048xf32, #tpu.memory_space<hbm>>) target_semaphore(%dma_start3A_32 : memref<!tpu.dma_semaphore, #tpu.memory_space<semaphore_mem>>)
    %get3A_39 = arith.constant 16 : index
    %get3A_40 = tpu.vector_load %arg6[%get3A_39] {strides = array<i32>} : memref<256xi32, #tpu.memory_space<vmem>>, vector<16xi32>,
    %get3A_41 = arith.constant 16 : index
    %get3A_42 = tpu.vector_load %arg5[%get3A_41] {strides = array<i32>} : memref<256xf32, #tpu.memory_space<vmem>>, vector<16xf32>,
    %scatter3A_43 = arith.constant 1 : i32
    %scatter3A_44 = arith.constant 0 : i32
    %scatter3A_45 = arith.constant 0 : i32
    %scatter3A_46 = tpu.memref_slice %arg7[%scatter3A_43, %scatter3A_44, %scatter3A_45] : memref<4x2x2048xf32, #tpu.memory_space<vmem>> -> memref<1x2x2048xf32, #tpu.memory_space<vmem>>
    %scatter3A_47 = tpu.memref_squeeze %scatter3A_46 : memref<1x2x2048xf32, #tpu.memory_space<vmem>> -> memref<2x2048xf32, #tpu.memory_space<vmem>>
    tpu.vector_store_idx %scatter3A_47[%shift_right_arithmetic3A_14, %get3A_40], %get3A_42 : memref<2x2048xf32, #tpu.memory_space<vmem>>[vector<16xi32>, vector<16xi32>], vector<16xf32>,
    %add3A_48 = arith.constant 2 : i32
    %add3A_49 = arith.addi %mul3A_2, %add3A_48 : i32
    %dma_start3A_50 = arith.constant 1 : i32
    %dma_start3A_51 = arith.constant 1 : i32
    %dma_start3A_52 = arith.constant 0 : i32
    %dma_start3A_53 = arith.constant 0 : i32
    %dma_start3A_54 = tpu.memref_slice %arg7[%dma_start3A_50, %dma_start3A_52, %dma_start3A_53] : memref<4x2x2048xf32, #tpu.memory_space<vmem>> -> memref<1x2x2048xf32, #tpu.memory_space<vmem>>
    %dma_start3A_55 = tpu.memref_squeeze %dma_start3A_54 : memref<1x2x2048xf32, #tpu.memory_space<vmem>> -> memref<2x2048xf32, #tpu.memory_space<vmem>>
    %dma_start3A_56 = arith.constant 0 : i32
    %dma_start3A_57 = tpu.memref_slice %arg4[%add3A_49, %dma_start3A_56] : memref<1024x2048xf32, #tpu.memory_space<hbm>> -> memref<2x2048xf32, #tpu.memory_space<hbm>>
    %dma_start3A_58 = tpu.memref_slice %arg8[%dma_start3A_51] : memref<4x!tpu.dma_semaphore, #tpu.memory_space<semaphore_mem>> -> memref<1x!tpu.dma_semaphore, #tpu.memory_space<semaphore_mem>>
    %dma_start3A_59 = tpu.memref_squeeze %dma_start3A_58 : memref<1x!tpu.dma_semaphore, #tpu.memory_space<semaphore_mem>> -> memref<!tpu.dma_semaphore, #tpu.memory_space<semaphore_mem>>
    %dma_start3A_60 = arith.constant 0 : i32
    %dma_start3A_61 = tpu.memref_slice %arg4[%add3A_49, %dma_start3A_60] : memref<1024x2048xf32, #tpu.memory_space<hbm>> -> memref<2x2048xf32, #tpu.memory_space<hbm>>
    %dma_start3A_62 = arith.constant 0 : i32
    %dma_start3A_63 = arith.constant 0 : i32
    %dma_start3A_64 = tpu.memref_slice %arg7[%dma_start3A_50, %dma_start3A_62, %dma_start3A_63] : memref<4x2x2048xf32, #tpu.memory_space<vmem>> -> memref<1x2x2048xf32, #tpu.memory_space<vmem>>
    %dma_start3A_65 = tpu.memref_squeeze %dma_start3A_64 : memref<1x2x2048xf32, #tpu.memory_space<vmem>> -> memref<2x2048xf32, #tpu.memory_space<vmem>>
    tpu.enqueue_dma source(%dma_start3A_65 : memref<2x2048xf32, #tpu.memory_space<vmem>>) target(%dma_start3A_61 : memref<2x2048xf32, #tpu.memory_space<hbm>>) target_semaphore(%dma_start3A_59 : memref<!tpu.dma_semaphore, #tpu.memory_space<semaphore_mem>>)
    %get3A_66 = arith.constant 32 : index
    %get3A_67 = tpu.vector_load %arg6[%get3A_66] {strides = array<i32>} : memref<256xi32, #tpu.memory_space<vmem>>, vector<16xi32>,
    %get3A_68 = arith.constant 32 : index
    %get3A_69 = tpu.vector_load %arg5[%get3A_68] {strides = array<i32>} : memref<256xf32, #tpu.memory_space<vmem>>, vector<16xf32>,
    %scatter3A_70 = arith.constant 2 : i32
    %scatter3A_71 = arith.constant 0 : i32
    %scatter3A_72 = arith.constant 0 : i32
    %scatter3A_73 = tpu.memref_slice %arg7[%scatter3A_70, %scatter3A_71, %scatter3A_72] : memref<4x2x2048xf32, #tpu.memory_space<vmem>> -> memref<1x2x2048xf32, #tpu.memory_space<vmem>>
    %scatter3A_74 = tpu.memref_squeeze %scatter3A_73 : memref<1x2x2048xf32, #tpu.memory_space<vmem>> -> memref<2x2048xf32, #tpu.memory_space<vmem>>
    tpu.vector_store_idx %scatter3A_74[%shift_right_arithmetic3A_14, %get3A_67], %get3A_69 : memref<2x2048xf32, #tpu.memory_space<vmem>>[vector<16xi32>, vector<16xi32>], vector<16xf32>,
    %add3A_75 = arith.constant 4 : i32
    %add3A_76 = arith.addi %mul3A_2, %add3A_75 : i32
    %dma_start3A_77 = arith.constant 2 : i32
    %dma_start3A_78 = arith.constant 2 : i32
    %dma_start3A_79 = arith.constant 0 : i32
    %dma_start3A_80 = arith.constant 0 : i32
    %dma_start3A_81 = tpu.memref_slice %arg7[%dma_start3A_77, %dma_start3A_79, %dma_start3A_80] : memref<4x2x2048xf32, #tpu.memory_space<vmem>> -> memref<1x2x2048xf32, #tpu.memory_space<vmem>>
    %dma_start3A_82 = tpu.memref_squeeze %dma_start3A_81 : memref<1x2x2048xf32, #tpu.memory_space<vmem>> -> memref<2x2048xf32, #tpu.memory_space<vmem>>
    %dma_start3A_83 = arith.constant 0 : i32
    %dma_start3A_84 = tpu.memref_slice %arg4[%add3A_76, %dma_start3A_83] : memref<1024x2048xf32, #tpu.memory_space<hbm>> -> memref<2x2048xf32, #tpu.memory_space<hbm>>
    %dma_start3A_85 = tpu.memref_slice %arg8[%dma_start3A_78] : memref<4x!tpu.dma_semaphore, #tpu.memory_space<semaphore_mem>> -> memref<1x!tpu.dma_semaphore, #tpu.memory_space<semaphore_mem>>
    %dma_start3A_86 = tpu.memref_squeeze %dma_start3A_85 : memref<1x!tpu.dma_semaphore, #tpu.memory_space<semaphore_mem>> -> memref<!tpu.dma_semaphore, #tpu.memory_space<semaphore_mem>>
    %dma_start3A_87 = arith.constant 0 : i32
    %dma_start3A_88 = tpu.memref_slice %arg4[%add3A_76, %dma_start3A_87] : memref<1024x2048xf32, #tpu.memory_space<hbm>> -> memref<2x2048xf32, #tpu.memory_space<hbm>>
    %dma_start3A_89 = arith.constant 0 : i32
    %dma_start3A_90 = arith.constant 0 : i32
    %dma_start3A_91 = tpu.memref_slice %arg7[%dma_start3A_77, %dma_start3A_89, %dma_start3A_90] : memref<4x2x2048xf32, #tpu.memory_space<vmem>> -> memref<1x2x2048xf32, #tpu.memory_space<vmem>>
    %dma_start3A_92 = tpu.memref_squeeze %dma_start3A_91 : memref<1x2x2048xf32, #tpu.memory_space<vmem>> -> memref<2x2048xf32, #tpu.memory_space<vmem>>
    tpu.enqueue_dma source(%dma_start3A_92 : memref<2x2048xf32, #tpu.memory_space<vmem>>) target(%dma_start3A_88 : memref<2x2048xf32, #tpu.memory_space<hbm>>) target_semaphore(%dma_start3A_86 : memref<!tpu.dma_semaphore, #tpu.memory_space<semaphore_mem>>)
    %get3A_93 = arith.constant 48 : index
    %get3A_94 = tpu.vector_load %arg6[%get3A_93] {strides = array<i32>} : memref<256xi32, #tpu.memory_space<vmem>>, vector<16xi32>,
    %get3A_95 = arith.constant 48 : index
    %get3A_96 = tpu.vector_load %arg5[%get3A_95] {strides = array<i32>} : memref<256xf32, #tpu.memory_space<vmem>>, vector<16xf32>,
    %scatter3A_97 = arith.constant 3 : i32
    %scatter3A_98 = arith.constant 0 : i32
    %scatter3A_99 = arith.constant 0 : i32
    %scatter3A_100 = tpu.memref_slice %arg7[%scatter3A_97, %scatter3A_98, %scatter3A_99] : memref<4x2x2048xf32, #tpu.memory_space<vmem>> -> memref<1x2x2048xf32, #tpu.memory_space<vmem>>
    %scatter3A_101 = tpu.memref_squeeze %scatter3A_100 : memref<1x2x2048xf32, #tpu.memory_space<vmem>> -> memref<2x2048xf32, #tpu.memory_space<vmem>>
    tpu.vector_store_idx %scatter3A_101[%shift_right_arithmetic3A_14, %get3A_94], %get3A_96 : memref<2x2048xf32, #tpu.memory_space<vmem>>[vector<16xi32>, vector<16xi32>], vector<16xf32>,
    %add3A_102 = arith.constant 6 : i32
    %add3A_103 = arith.addi %mul3A_2, %add3A_102 : i32
    %dma_start3A_104 = arith.constant 3 : i32
    %dma_start3A_105 = arith.constant 3 : i32
    %dma_start3A_106 = arith.constant 0 : i32
    %dma_start3A_107 = arith.constant 0 : i32
    %dma_start3A_108 = tpu.memref_slice %arg7[%dma_start3A_104, %dma_start3A_106, %dma_start3A_107] : memref<4x2x2048xf32, #tpu.memory_space<vmem>> -> memref<1x2x2048xf32, #tpu.memory_space<vmem>>
    %dma_start3A_109 = tpu.memref_squeeze %dma_start3A_108 : memref<1x2x2048xf32, #tpu.memory_space<vmem>> -> memref<2x2048xf32, #tpu.memory_space<vmem>>
    %dma_start3A_110 = arith.constant 0 : i32
    %dma_start3A_111 = tpu.memref_slice %arg4[%add3A_103, %dma_start3A_110] : memref<1024x2048xf32, #tpu.memory_space<hbm>> -> memref<2x2048xf32, #tpu.memory_space<hbm>>
    %dma_start3A_112 = tpu.memref_slice %arg8[%dma_start3A_105] : memref<4x!tpu.dma_semaphore, #tpu.memory_space<semaphore_mem>> -> memref<1x!tpu.dma_semaphore, #tpu.memory_space<semaphore_mem>>
    %dma_start3A_113 = tpu.memref_squeeze %dma_start3A_112 : memref<1x!tpu.dma_semaphore, #tpu.memory_space<semaphore_mem>> -> memref<!tpu.dma_semaphore, #tpu.memory_space<semaphore_mem>>
    %dma_start3A_114 = arith.constant 0 : i32
    %dma_start3A_115 = tpu.memref_slice %arg4[%add3A_103, %dma_start3A_114] : memref<1024x2048xf32, #tpu.memory_space<hbm>> -> memref<2x2048xf32, #tpu.memory_space<hbm>>
    %dma_start3A_116 = arith.constant 0 : i32
    %dma_start3A_117 = arith.constant 0 : i32
    %dma_start3A_118 = tpu.memref_slice %arg7[%dma_start3A_104, %dma_start3A_116, %dma_start3A_117] : memref<4x2x2048xf32, #tpu.memory_space<vmem>> -> memref<1x2x2048xf32, #tpu.memory_space<vmem>>
    %dma_start3A_119 = tpu.memref_squeeze %dma_start3A_118 : memref<1x2x2048xf32, #tpu.memory_space<vmem>> -> memref<2x2048xf32, #tpu.memory_space<vmem>>
    tpu.enqueue_dma source(%dma_start3A_119 : memref<2x2048xf32, #tpu.memory_space<vmem>>) target(%dma_start3A_115 : memref<2x2048xf32, #tpu.memory_space<hbm>>) target_semaphore(%dma_start3A_113 : memref<!tpu.dma_semaphore, #tpu.memory_space<semaphore_mem>>)
    %dma_wait3A = arith.constant 0 : i32
    %dma_wait3A_120 = arith.constant 0 : i32
    %dma_wait3A_121 = arith.constant 0 : i32
    %dma_wait3A_122 = arith.constant 0 : i32
    %dma_wait3A_123 = tpu.memref_slice %arg7[%dma_wait3A, %dma_wait3A_121, %dma_wait3A_122] : memref<4x2x2048xf32, #tpu.memory_space<vmem>> -> memref<1x2x2048xf32, #tpu.memory_space<vmem>>
    %dma_wait3A_124 = tpu.memref_squeeze %dma_wait3A_123 : memref<1x2x2048xf32, #tpu.memory_space<vmem>> -> memref<2x2048xf32, #tpu.memory_space<vmem>>
    %dma_wait3A_125 = arith.constant 0 : i32
    %dma_wait3A_126 = tpu.memref_slice %arg4[%add3A_23, %dma_wait3A_125] : memref<1024x2048xf32, #tpu.memory_space<hbm>> -> memref<2x2048xf32, #tpu.memory_space<hbm>>
    %dma_wait3A_127 = tpu.memref_slice %arg8[%dma_wait3A_120] : memref<4x!tpu.dma_semaphore, #tpu.memory_space<semaphore_mem>> -> memref<1x!tpu.dma_semaphore, #tpu.memory_space<semaphore_mem>>
    %dma_wait3A_128 = tpu.memref_squeeze %dma_wait3A_127 : memref<1x!tpu.dma_semaphore, #tpu.memory_space<semaphore_mem>> -> memref<!tpu.dma_semaphore, #tpu.memory_space<semaphore_mem>>
    %dma_wait3A_129 = arith.constant 0 : i32
    %dma_wait3A_130 = tpu.memref_slice %arg4[%add3A_23, %dma_wait3A_129] : memref<1024x2048xf32, #tpu.memory_space<hbm>> -> memref<2x2048xf32, #tpu.memory_space<hbm>>
    %dma_wait3A_131 = arith.constant 0 : i32
    %dma_wait3A_132 = arith.constant 0 : i32
    %dma_wait3A_133 = tpu.memref_slice %arg7[%dma_wait3A, %dma_wait3A_131, %dma_wait3A_132] : memref<4x2x2048xf32, #tpu.memory_space<vmem>> -> memref<1x2x2048xf32, #tpu.memory_space<vmem>>
    %dma_wait3A_134 = tpu.memref_squeeze %dma_wait3A_133 : memref<1x2x2048xf32, #tpu.memory_space<vmem>> -> memref<2x2048xf32, #tpu.memory_space<vmem>>
    tpu.wait_dma2 semaphore(%dma_wait3A_128 : memref<!tpu.dma_semaphore, #tpu.memory_space<semaphore_mem>>) src(%dma_wait3A_134 : memref<2x2048xf32, #tpu.memory_space<vmem>>) dst(%dma_wait3A_130 : memref<2x2048xf32, #tpu.memory_space<hbm>>)
    %get3A_135 = arith.constant 0 : index
    %get3A_136 = tpu.vector_load %arg6[%get3A_135] {strides = array<i32>} : memref<256xi32, #tpu.memory_space<vmem>>, vector<16xi32>,
    %scatter3A_137 = arith.constant 0 : i32
    %scatter3A_138 = arith.constant 0 : i32
    %scatter3A_139 = arith.constant 0 : i32
    %scatter3A_140 = tpu.memref_slice %arg7[%scatter3A_137, %scatter3A_138, %scatter3A_139] : memref<4x2x2048xf32, #tpu.memory_space<vmem>> -> memref<1x2x2048xf32, #tpu.memory_space<vmem>>
    %scatter3A_141 = tpu.memref_squeeze %scatter3A_140 : memref<1x2x2048xf32, #tpu.memory_space<vmem>> -> memref<2x2048xf32, #tpu.memory_space<vmem>>
    tpu.vector_store_idx %scatter3A_141[%shift_right_arithmetic3A_14, %get3A_136], %broadcast_in_dim3A_7 : memref<2x2048xf32, #tpu.memory_space<vmem>>[vector<16xi32>, vector<16xi32>], vector<16xf32>,
    %get3A_142 = arith.constant 64 : index
    %get3A_143 = tpu.vector_load %arg6[%get3A_142] {strides = array<i32>} : memref<256xi32, #tpu.memory_space<vmem>>, vector<16xi32>,
    %get3A_144 = arith.constant 64 : index
    %get3A_145 = tpu.vector_load %arg5[%get3A_144] {strides = array<i32>} : memref<256xf32, #tpu.memory_space<vmem>>, vector<16xf32>,
    %scatter3A_146 = arith.constant 0 : i32
    %scatter3A_147 = arith.constant 0 : i32
    %scatter3A_148 = arith.constant 0 : i32
    %scatter3A_149 = tpu.memref_slice %arg7[%scatter3A_146, %scatter3A_147, %scatter3A_148] : memref<4x2x2048xf32, #tpu.memory_space<vmem>> -> memref<1x2x2048xf32, #tpu.memory_space<vmem>>
    %scatter3A_150 = tpu.memref_squeeze %scatter3A_149 : memref<1x2x2048xf32, #tpu.memory_space<vmem>> -> memref<2x2048xf32, #tpu.memory_space<vmem>>
    tpu.vector_store_idx %scatter3A_150[%shift_right_arithmetic3A_14, %get3A_143], %get3A_145 : memref<2x2048xf32, #tpu.memory_space<vmem>>[vector<16xi32>, vector<16xi32>], vector<16xf32>,
    %add3A_151 = arith.constant 8 : i32
    %add3A_152 = arith.addi %mul3A_2, %add3A_151 : i32
    %dma_start3A_153 = arith.constant 0 : i32
    %dma_start3A_154 = arith.constant 0 : i32
    %dma_start3A_155 = arith.constant 0 : i32
    %dma_start3A_156 = arith.constant 0 : i32
    %dma_start3A_157 = tpu.memref_slice %arg7[%dma_start3A_153, %dma_start3A_155, %dma_start3A_156] : memref<4x2x2048xf32, #tpu.memory_space<vmem>> -> memref<1x2x2048xf32, #tpu.memory_space<vmem>>
    %dma_start3A_158 = tpu.memref_squeeze %dma_start3A_157 : memref<1x2x2048xf32, #tpu.memory_space<vmem>> -> memref<2x2048xf32, #tpu.memory_space<vmem>>
    %dma_start3A_159 = arith.constant 0 : i32
    %dma_start3A_160 = tpu.memref_slice %arg4[%add3A_152, %dma_start3A_159] : memref<1024x2048xf32, #tpu.memory_space<hbm>> -> memref<2x2048xf32, #tpu.memory_space<hbm>>
    %dma_start3A_161 = tpu.memref_slice %arg8[%dma_start3A_154] : memref<4x!tpu.dma_semaphore, #tpu.memory_space<semaphore_mem>> -> memref<1x!tpu.dma_semaphore, #tpu.memory_space<semaphore_mem>>
    %dma_start3A_162 = tpu.memref_squeeze %dma_start3A_161 : memref<1x!tpu.dma_semaphore, #tpu.memory_space<semaphore_mem>> -> memref<!tpu.dma_semaphore, #tpu.memory_space<semaphore_mem>>
    %dma_start3A_163 = arith.constant 0 : i32
    %dma_start3A_164 = tpu.memref_slice %arg4[%add3A_152, %dma_start3A_163] : memref<1024x2048xf32, #tpu.memory_space<hbm>> -> memref<2x2048xf32, #tpu.memory_space<hbm>>
    %dma_start3A_165 = arith.constant 0 : i32
    %dma_start3A_166 = arith.constant 0 : i32
    %dma_start3A_167 = tpu.memref_slice %arg7[%dma_start3A_153, %dma_start3A_165, %dma_start3A_166] : memref<4x2x2048xf32, #tpu.memory_space<vmem>> -> memref<1x2x2048xf32, #tpu.memory_space<vmem>>
    %dma_start3A_168 = tpu.memref_squeeze %dma_start3A_167 : memref<1x2x2048xf32, #tpu.memory_space<vmem>> -> memref<2x2048xf32, #tpu.memory_space<vmem>>
    tpu.enqueue_dma source(%dma_start3A_168 : memref<2x2048xf32, #tpu.memory_space<vmem>>) target(%dma_start3A_164 : memref<2x2048xf32, #tpu.memory_space<hbm>>) target_semaphore(%dma_start3A_162 : memref<!tpu.dma_semaphore, #tpu.memory_space<semaphore_mem>>)
    %dma_wait3A_169 = arith.constant 1 : i32
    %dma_wait3A_170 = arith.constant 1 : i32
    %dma_wait3A_171 = arith.constant 0 : i32
    %dma_wait3A_172 = arith.constant 0 : i32
    %dma_wait3A_173 = tpu.memref_slice %arg7[%dma_wait3A_169, %dma_wait3A_171, %dma_wait3A_172] : memref<4x2x2048xf32, #tpu.memory_space<vmem>> -> memref<1x2x2048xf32, #tpu.memory_space<vmem>>
    %dma_wait3A_174 = tpu.memref_squeeze %dma_wait3A_173 : memref<1x2x2048xf32, #tpu.memory_space<vmem>> -> memref<2x2048xf32, #tpu.memory_space<vmem>>
    %dma_wait3A_175 = arith.constant 0 : i32
    %dma_wait3A_176 = tpu.memref_slice %arg4[%add3A_49, %dma_wait3A_175] : memref<1024x2048xf32, #tpu.memory_space<hbm>> -> memref<2x2048xf32, #tpu.memory_space<hbm>>
    %dma_wait3A_177 = tpu.memref_slice %arg8[%dma_wait3A_170] : memref<4x!tpu.dma_semaphore, #tpu.memory_space<semaphore_mem>> -> memref<1x!tpu.dma_semaphore, #tpu.memory_space<semaphore_mem>>
    %dma_wait3A_178 = tpu.memref_squeeze %dma_wait3A_177 : memref<1x!tpu.dma_semaphore, #tpu.memory_space<semaphore_mem>> -> memref<!tpu.dma_semaphore, #tpu.memory_space<semaphore_mem>>
    %dma_wait3A_179 = arith.constant 0 : i32
    %dma_wait3A_180 = tpu.memref_slice %arg4[%add3A_49, %dma_wait3A_179] : memref<1024x2048xf32, #tpu.memory_space<hbm>> -> memref<2x2048xf32, #tpu.memory_space<hbm>>
    %dma_wait3A_181 = arith.constant 0 : i32
    %dma_wait3A_182 = arith.constant 0 : i32
    %dma_wait3A_183 = tpu.memref_slice %arg7[%dma_wait3A_169, %dma_wait3A_181, %dma_wait3A_182] : memref<4x2x2048xf32, #tpu.memory_space<vmem>> -> memref<1x2x2048xf32, #tpu.memory_space<vmem>>
    %dma_wait3A_184 = tpu.memref_squeeze %dma_wait3A_183 : memref<1x2x2048xf32, #tpu.memory_space<vmem>> -> memref<2x2048xf32, #tpu.memory_space<vmem>>
    tpu.wait_dma2 semaphore(%dma_wait3A_178 : memref<!tpu.dma_semaphore, #tpu.memory_space<semaphore_mem>>) src(%dma_wait3A_184 : memref<2x2048xf32, #tpu.memory_space<vmem>>) dst(%dma_wait3A_180 : memref<2x2048xf32, #tpu.memory_space<hbm>>)
    %get3A_185 = arith.constant 16 : index
    %get3A_186 = tpu.vector_load %arg6[%get3A_185] {strides = array<i32>} : memref<256xi32, #tpu.memory_space<vmem>>, vector<16xi32>,
    %scatter3A_187 = arith.constant 1 : i32
    %scatter3A_188 = arith.constant 0 : i32
    %scatter3A_189 = arith.constant 0 : i32
    %scatter3A_190 = tpu.memref_slice %arg7[%scatter3A_187, %scatter3A_188, %scatter3A_189] : memref<4x2x2048xf32, #tpu.memory_space<vmem>> -> memref<1x2x2048xf32, #tpu.memory_space<vmem>>
    %scatter3A_191 = tpu.memref_squeeze %scatter3A_190 : memref<1x2x2048xf32, #tpu.memory_space<vmem>> -> memref<2x2048xf32, #tpu.memory_space<vmem>>
    tpu.vector_store_idx %scatter3A_191[%shift_right_arithmetic3A_14, %get3A_186], %broadcast_in_dim3A_7 : memref<2x2048xf32, #tpu.memory_space<vmem>>[vector<16xi32>, vector<16xi32>], vector<16xf32>,
    %get3A_192 = arith.constant 80 : index
    %get3A_193 = tpu.vector_load %arg6[%get3A_192] {strides = array<i32>} : memref<256xi32, #tpu.memory_space<vmem>>, vector<16xi32>,
    %get3A_194 = arith.constant 80 : index
    %get3A_195 = tpu.vector_load %arg5[%get3A_194] {strides = array<i32>} : memref<256xf32, #tpu.memory_space<vmem>>, vector<16xf32>,
    %scatter3A_196 = arith.constant 1 : i32
    %scatter3A_197 = arith.constant 0 : i32
    %scatter3A_198 = arith.constant 0 : i32
    %scatter3A_199 = tpu.memref_slice %arg7[%scatter3A_196, %scatter3A_197, %scatter3A_198] : memref<4x2x2048xf32, #tpu.memory_space<vmem>> -> memref<1x2x2048xf32, #tpu.memory_space<vmem>>
    %scatter3A_200 = tpu.memref_squeeze %scatter3A_199 : memref<1x2x2048xf32, #tpu.memory_space<vmem>> -> memref<2x2048xf32, #tpu.memory_space<vmem>>
    tpu.vector_store_idx %scatter3A_200[%shift_right_arithmetic3A_14, %get3A_193], %get3A_195 : memref<2x2048xf32, #tpu.memory_space<vmem>>[vector<16xi32>, vector<16xi32>], vector<16xf32>,
    %add3A_201 = arith.constant 10 : i32
    %add3A_202 = arith.addi %mul3A_2, %add3A_201 : i32
    %dma_start3A_203 = arith.constant 1 : i32
    %dma_start3A_204 = arith.constant 1 : i32
    %dma_start3A_205 = arith.constant 0 : i32
    %dma_start3A_206 = arith.constant 0 : i32
    %dma_start3A_207 = tpu.memref_slice %arg7[%dma_start3A_203, %dma_start3A_205, %dma_start3A_206] : memref<4x2x2048xf32, #tpu.memory_space<vmem>> -> memref<1x2x2048xf32, #tpu.memory_space<vmem>>
    %dma_start3A_208 = tpu.memref_squeeze %dma_start3A_207 : memref<1x2x2048xf32, #tpu.memory_space<vmem>> -> memref<2x2048xf32, #tpu.memory_space<vmem>>
    %dma_start3A_209 = arith.constant 0 : i32
    %dma_start3A_210 = tpu.memref_slice %arg4[%add3A_202, %dma_start3A_209] : memref<1024x2048xf32, #tpu.memory_space<hbm>> -> memref<2x2048xf32, #tpu.memory_space<hbm>>
    %dma_start3A_211 = tpu.memref_slice %arg8[%dma_start3A_204] : memref<4x!tpu.dma_semaphore, #tpu.memory_space<semaphore_mem>> -> memref<1x!tpu.dma_semaphore, #tpu.memory_space<semaphore_mem>>
    %dma_start3A_212 = tpu.memref_squeeze %dma_start3A_211 : memref<1x!tpu.dma_semaphore, #tpu.memory_space<semaphore_mem>> -> memref<!tpu.dma_semaphore, #tpu.memory_space<semaphore_mem>>
    %dma_start3A_213 = arith.constant 0 : i32
    %dma_start3A_214 = tpu.memref_slice %arg4[%add3A_202, %dma_start3A_213] : memref<1024x2048xf32, #tpu.memory_space<hbm>> -> memref<2x2048xf32, #tpu.memory_space<hbm>>
    %dma_start3A_215 = arith.constant 0 : i32
    %dma_start3A_216 = arith.constant 0 : i32
    %dma_start3A_217 = tpu.memref_slice %arg7[%dma_start3A_203, %dma_start3A_215, %dma_start3A_216] : memref<4x2x2048xf32, #tpu.memory_space<vmem>> -> memref<1x2x2048xf32, #tpu.memory_space<vmem>>
    %dma_start3A_218 = tpu.memref_squeeze %dma_start3A_217 : memref<1x2x2048xf32, #tpu.memory_space<vmem>> -> memref<2x2048xf32, #tpu.memory_space<vmem>>
    tpu.enqueue_dma source(%dma_start3A_218 : memref<2x2048xf32, #tpu.memory_space<vmem>>) target(%dma_start3A_214 : memref<2x2048xf32, #tpu.memory_space<hbm>>) target_semaphore(%dma_start3A_212 : memref<!tpu.dma_semaphore, #tpu.memory_space<semaphore_mem>>)
    %dma_wait3A_219 = arith.constant 2 : i32
    %dma_wait3A_220 = arith.constant 2 : i32
    %dma_wait3A_221 = arith.constant 0 : i32
    %dma_wait3A_222 = arith.constant 0 : i32
    %dma_wait3A_223 = tpu.memref_slice %arg7[%dma_wait3A_219, %dma_wait3A_221, %dma_wait3A_222] : memref<4x2x2048xf32, #tpu.memory_space<vmem>> -> memref<1x2x2048xf32, #tpu.memory_space<vmem>>
    %dma_wait3A_224 = tpu.memref_squeeze %dma_wait3A_223 : memref<1x2x2048xf32, #tpu.memory_space<vmem>> -> memref<2x2048xf32, #tpu.memory_space<vmem>>
    %dma_wait3A_225 = arith.constant 0 : i32
    %dma_wait3A_226 = tpu.memref_slice %arg4[%add3A_76, %dma_wait3A_225] : memref<1024x2048xf32, #tpu.memory_space<hbm>> -> memref<2x2048xf32, #tpu.memory_space<hbm>>
    %dma_wait3A_227 = tpu.memref_slice %arg8[%dma_wait3A_220] : memref<4x!tpu.dma_semaphore, #tpu.memory_space<semaphore_mem>> -> memref<1x!tpu.dma_semaphore, #tpu.memory_space<semaphore_mem>>
    %dma_wait3A_228 = tpu.memref_squeeze %dma_wait3A_227 : memref<1x!tpu.dma_semaphore, #tpu.memory_space<semaphore_mem>> -> memref<!tpu.dma_semaphore, #tpu.memory_space<semaphore_mem>>
    %dma_wait3A_229 = arith.constant 0 : i32
    %dma_wait3A_230 = tpu.memref_slice %arg4[%add3A_76, %dma_wait3A_229] : memref<1024x2048xf32, #tpu.memory_space<hbm>> -> memref<2x2048xf32, #tpu.memory_space<hbm>>
    %dma_wait3A_231 = arith.constant 0 : i32
    %dma_wait3A_232 = arith.constant 0 : i32
    %dma_wait3A_233 = tpu.memref_slice %arg7[%dma_wait3A_219, %dma_wait3A_231, %dma_wait3A_232] : memref<4x2x2048xf32, #tpu.memory_space<vmem>> -> memref<1x2x2048xf32, #tpu.memory_space<vmem>>
    %dma_wait3A_234 = tpu.memref_squeeze %dma_wait3A_233 : memref<1x2x2048xf32, #tpu.memory_space<vmem>> -> memref<2x2048xf32, #tpu.memory_space<vmem>>
    tpu.wait_dma2 semaphore(%dma_wait3A_228 : memref<!tpu.dma_semaphore, #tpu.memory_space<semaphore_mem>>) src(%dma_wait3A_234 : memref<2x2048xf32, #tpu.memory_space<vmem>>) dst(%dma_wait3A_230 : memref<2x2048xf32, #tpu.memory_space<hbm>>)
    %get3A_235 = arith.constant 32 : index
    %get3A_236 = tpu.vector_load %arg6[%get3A_235] {strides = array<i32>} : memref<256xi32, #tpu.memory_space<vmem>>, vector<16xi32>,
    %scatter3A_237 = arith.constant 2 : i32
    %scatter3A_238 = arith.constant 0 : i32
    %scatter3A_239 = arith.constant 0 : i32
    %scatter3A_240 = tpu.memref_slice %arg7[%scatter3A_237, %scatter3A_238, %scatter3A_239] : memref<4x2x2048xf32, #tpu.memory_space<vmem>> -> memref<1x2x2048xf32, #tpu.memory_space<vmem>>
    %scatter3A_241 = tpu.memref_squeeze %scatter3A_240 : memref<1x2x2048xf32, #tpu.memory_space<vmem>> -> memref<2x2048xf32, #tpu.memory_space<vmem>>
    tpu.vector_store_idx %scatter3A_241[%shift_right_arithmetic3A_14, %get3A_236], %broadcast_in_dim3A_7 : memref<2x2048xf32, #tpu.memory_space<vmem>>[vector<16xi32>, vector<16xi32>], vector<16xf32>,
    %get3A_242 = arith.constant 96 : index
    %get3A_243 = tpu.vector_load %arg6[%get3A_242] {strides = array<i32>} : memref<256xi32, #tpu.memory_space<vmem>>, vector<16xi32>,
    %get3A_244 = arith.constant 96 : index
    %get3A_245 = tpu.vector_load %arg5[%get3A_244] {strides = array<i32>} : memref<256xf32, #tpu.memory_space<vmem>>, vector<16xf32>,
    %scatter3A_246 = arith.constant 2 : i32
    %scatter3A_247 = arith.constant 0 : i32
    %scatter3A_248 = arith.constant 0 : i32
    %scatter3A_249 = tpu.memref_slice %arg7[%scatter3A_246, %scatter3A_247, %scatter3A_248] : memref<4x2x2048xf32, #tpu.memory_space<vmem>> -> memref<1x2x2048xf32, #tpu.memory_space<vmem>>
    %scatter3A_250 = tpu.memref_squeeze %scatter3A_249 : memref<1x2x2048xf32, #tpu.memory_space<vmem>> -> memref<2x2048xf32, #tpu.memory_space<vmem>>
    tpu.vector_store_idx %scatter3A_250[%shift_right_arithmetic3A_14, %get3A_243], %get3A_245 : memref<2x2048xf32, #tpu.memory_space<vmem>>[vector<16xi32>, vector<16xi32>], vector<16xf32>,
    %add3A_251 = arith.constant 12 : i32
    %add3A_252 = arith.addi %mul3A_2, %add3A_251 : i32
    %dma_start3A_253 = arith.constant 2 : i32
    %dma_start3A_254 = arith.constant 2 : i32
    %dma_start3A_255 = arith.constant 0 : i32
    %dma_start3A_256 = arith.constant 0 : i32
    %dma_start3A_257 = tpu.memref_slice %arg7[%dma_start3A_253, %dma_start3A_255, %dma_start3A_256] : memref<4x2x2048xf32, #tpu.memory_space<vmem>> -> memref<1x2x2048xf32, #tpu.memory_space<vmem>>
    %dma_start3A_258 = tpu.memref_squeeze %dma_start3A_257 : memref<1x2x2048xf32, #tpu.memory_space<vmem>> -> memref<2x2048xf32, #tpu.memory_space<vmem>>
    %dma_start3A_259 = arith.constant 0 : i32
    %dma_start3A_260 = tpu.memref_slice %arg4[%add3A_252, %dma_start3A_259] : memref<1024x2048xf32, #tpu.memory_space<hbm>> -> memref<2x2048xf32, #tpu.memory_space<hbm>>
    %dma_start3A_261 = tpu.memref_slice %arg8[%dma_start3A_254] : memref<4x!tpu.dma_semaphore, #tpu.memory_space<semaphore_mem>> -> memref<1x!tpu.dma_semaphore, #tpu.memory_space<semaphore_mem>>
    %dma_start3A_262 = tpu.memref_squeeze %dma_start3A_261 : memref<1x!tpu.dma_semaphore, #tpu.memory_space<semaphore_mem>> -> memref<!tpu.dma_semaphore, #tpu.memory_space<semaphore_mem>>
    %dma_start3A_263 = arith.constant 0 : i32
    %dma_start3A_264 = tpu.memref_slice %arg4[%add3A_252, %dma_start3A_263] : memref<1024x2048xf32, #tpu.memory_space<hbm>> -> memref<2x2048xf32, #tpu.memory_space<hbm>>
    %dma_start3A_265 = arith.constant 0 : i32
    %dma_start3A_266 = arith.constant 0 : i32
    %dma_start3A_267 = tpu.memref_slice %arg7[%dma_start3A_253, %dma_start3A_265, %dma_start3A_266] : memref<4x2x2048xf32, #tpu.memory_space<vmem>> -> memref<1x2x2048xf32, #tpu.memory_space<vmem>>
    %dma_start3A_268 = tpu.memref_squeeze %dma_start3A_267 : memref<1x2x2048xf32, #tpu.memory_space<vmem>> -> memref<2x2048xf32, #tpu.memory_space<vmem>>
    tpu.enqueue_dma source(%dma_start3A_268 : memref<2x2048xf32, #tpu.memory_space<vmem>>) target(%dma_start3A_264 : memref<2x2048xf32, #tpu.memory_space<hbm>>) target_semaphore(%dma_start3A_262 : memref<!tpu.dma_semaphore, #tpu.memory_space<semaphore_mem>>)
    %dma_wait3A_269 = arith.constant 3 : i32
    %dma_wait3A_270 = arith.constant 3 : i32
    %dma_wait3A_271 = arith.constant 0 : i32
    %dma_wait3A_272 = arith.constant 0 : i32
    %dma_wait3A_273 = tpu.memref_slice %arg7[%dma_wait3A_269, %dma_wait3A_271, %dma_wait3A_272] : memref<4x2x2048xf32, #tpu.memory_space<vmem>> -> memref<1x2x2048xf32, #tpu.memory_space<vmem>>
    %dma_wait3A_274 = tpu.memref_squeeze %dma_wait3A_273 : memref<1x2x2048xf32, #tpu.memory_space<vmem>> -> memref<2x2048xf32, #tpu.memory_space<vmem>>
    %dma_wait3A_275 = arith.constant 0 : i32
    %dma_wait3A_276 = tpu.memref_slice %arg4[%add3A_103, %dma_wait3A_275] : memref<1024x2048xf32, #tpu.memory_space<hbm>> -> memref<2x2048xf32, #tpu.memory_space<hbm>>
    %dma_wait3A_277 = tpu.memref_slice %arg8[%dma_wait3A_270] : memref<4x!tpu.dma_semaphore, #tpu.memory_space<semaphore_mem>> -> memref<1x!tpu.dma_semaphore, #tpu.memory_space<semaphore_mem>>
    %dma_wait3A_278 = tpu.memref_squeeze %dma_wait3A_277 : memref<1x!tpu.dma_semaphore, #tpu.memory_space<semaphore_mem>> -> memref<!tpu.dma_semaphore, #tpu.memory_space<semaphore_mem>>
    %dma_wait3A_279 = arith.constant 0 : i32
    %dma_wait3A_280 = tpu.memref_slice %arg4[%add3A_103, %dma_wait3A_279] : memref<1024x2048xf32, #tpu.memory_space<hbm>> -> memref<2x2048xf32, #tpu.memory_space<hbm>>
    %dma_wait3A_281 = arith.constant 0 : i32
    %dma_wait3A_282 = arith.constant 0 : i32
    %dma_wait3A_283 = tpu.memref_slice %arg7[%dma_wait3A_269, %dma_wait3A_281, %dma_wait3A_282] : memref<4x2x2048xf32, #tpu.memory_space<vmem>> -> memref<1x2x2048xf32, #tpu.memory_space<vmem>>
    %dma_wait3A_284 = tpu.memref_squeeze %dma_wait3A_283 : memref<1x2x2048xf32, #tpu.memory_space<vmem>> -> memref<2x2048xf32, #tpu.memory_space<vmem>>
    tpu.wait_dma2 semaphore(%dma_wait3A_278 : memref<!tpu.dma_semaphore, #tpu.memory_space<semaphore_mem>>) src(%dma_wait3A_284 : memref<2x2048xf32, #tpu.memory_space<vmem>>) dst(%dma_wait3A_280 : memref<2x2048xf32, #tpu.memory_space<hbm>>)
    %get3A_285 = arith.constant 48 : index
    %get3A_286 = tpu.vector_load %arg6[%get3A_285] {strides = array<i32>} : memref<256xi32, #tpu.memory_space<vmem>>, vector<16xi32>,
    %scatter3A_287 = arith.constant 3 : i32
    %scatter3A_288 = arith.constant 0 : i32
    %scatter3A_289 = arith.constant 0 : i32
    %scatter3A_290 = tpu.memref_slice %arg7[%scatter3A_287, %scatter3A_288, %scatter3A_289] : memref<4x2x2048xf32, #tpu.memory_space<vmem>> -> memref<1x2x2048xf32, #tpu.memory_space<vmem>>
    %scatter3A_291 = tpu.memref_squeeze %scatter3A_290 : memref<1x2x2048xf32, #tpu.memory_space<vmem>> -> memref<2x2048xf32, #tpu.memory_space<vmem>>
    tpu.vector_store_idx %scatter3A_291[%shift_right_arithmetic3A_14, %get3A_286], %broadcast_in_dim3A_7 : memref<2x2048xf32, #tpu.memory_space<vmem>>[vector<16xi32>, vector<16xi32>], vector<16xf32>,
    %get3A_292 = arith.constant 112 : index
    %get3A_293 = tpu.vector_load %arg6[%get3A_292] {strides = array<i32>} : memref<256xi32, #tpu.memory_space<vmem>>, vector<16xi32>,
    %get3A_294 = arith.constant 112 : index
    %get3A_295 = tpu.vector_load %arg5[%get3A_294] {strides = array<i32>} : memref<256xf32, #tpu.memory_space<vmem>>, vector<16xf32>,
    %scatter3A_296 = arith.constant 3 : i32
    %scatter3A_297 = arith.constant 0 : i32
    %scatter3A_298 = arith.constant 0 : i32
    %scatter3A_299 = tpu.memref_slice %arg7[%scatter3A_296, %scatter3A_297, %scatter3A_298] : memref<4x2x2048xf32, #tpu.memory_space<vmem>> -> memref<1x2x2048xf32, #tpu.memory_space<vmem>>
    %scatter3A_300 = tpu.memref_squeeze %scatter3A_299 : memref<1x2x2048xf32, #tpu.memory_space<vmem>> -> memref<2x2048xf32, #tpu.memory_space<vmem>>
    tpu.vector_store_idx %scatter3A_300[%shift_right_arithmetic3A_14, %get3A_293], %get3A_295 : memref<2x2048xf32, #tpu.memory_space<vmem>>[vector<16xi32>, vector<16xi32>], vector<16xf32>,
    %add3A_301 = arith.constant 14 : i32
    %add3A_302 = arith.addi %mul3A_2, %add3A_301 : i32
    %dma_start3A_303 = arith.constant 3 : i32
    %dma_start3A_304 = arith.constant 3 : i32
    %dma_start3A_305 = arith.constant 0 : i32
    %dma_start3A_306 = arith.constant 0 : i32
    %dma_start3A_307 = tpu.memref_slice %arg7[%dma_start3A_303, %dma_start3A_305, %dma_start3A_306] : memref<4x2x2048xf32, #tpu.memory_space<vmem>> -> memref<1x2x2048xf32, #tpu.memory_space<vmem>>
    %dma_start3A_308 = tpu.memref_squeeze %dma_start3A_307 : memref<1x2x2048xf32, #tpu.memory_space<vmem>> -> memref<2x2048xf32, #tpu.memory_space<vmem>>
    %dma_start3A_309 = arith.constant 0 : i32
    %dma_start3A_310 = tpu.memref_slice %arg4[%add3A_302, %dma_start3A_309] : memref<1024x2048xf32, #tpu.memory_space<hbm>> -> memref<2x2048xf32, #tpu.memory_space<hbm>>
    %dma_start3A_311 = tpu.memref_slice %arg8[%dma_start3A_304] : memref<4x!tpu.dma_semaphore, #tpu.memory_space<semaphore_mem>> -> memref<1x!tpu.dma_semaphore, #tpu.memory_space<semaphore_mem>>
    %dma_start3A_312 = tpu.memref_squeeze %dma_start3A_311 : memref<1x!tpu.dma_semaphore, #tpu.memory_space<semaphore_mem>> -> memref<!tpu.dma_semaphore, #tpu.memory_space<semaphore_mem>>
    %dma_start3A_313 = arith.constant 0 : i32
    %dma_start3A_314 = tpu.memref_slice %arg4[%add3A_302, %dma_start3A_313] : memref<1024x2048xf32, #tpu.memory_space<hbm>> -> memref<2x2048xf32, #tpu.memory_space<hbm>>
    %dma_start3A_315 = arith.constant 0 : i32
    %dma_start3A_316 = arith.constant 0 : i32
    %dma_start3A_317 = tpu.memref_slice %arg7[%dma_start3A_303, %dma_start3A_315, %dma_start3A_316] : memref<4x2x2048xf32, #tpu.memory_space<vmem>> -> memref<1x2x2048xf32, #tpu.memory_space<vmem>>
    %dma_start3A_318 = tpu.memref_squeeze %dma_start3A_317 : memref<1x2x2048xf32, #tpu.memory_space<vmem>> -> memref<2x2048xf32, #tpu.memory_space<vmem>>
    tpu.enqueue_dma source(%dma_start3A_318 : memref<2x2048xf32, #tpu.memory_space<vmem>>) target(%dma_start3A_314 : memref<2x2048xf32, #tpu.memory_space<hbm>>) target_semaphore(%dma_start3A_312 : memref<!tpu.dma_semaphore, #tpu.memory_space<semaphore_mem>>)
    %dma_wait3A_319 = arith.constant 0 : i32
    %dma_wait3A_320 = arith.constant 0 : i32
    %dma_wait3A_321 = arith.constant 0 : i32
    %dma_wait3A_322 = arith.constant 0 : i32
    %dma_wait3A_323 = tpu.memref_slice %arg7[%dma_wait3A_319, %dma_wait3A_321, %dma_wait3A_322] : memref<4x2x2048xf32, #tpu.memory_space<vmem>> -> memref<1x2x2048xf32, #tpu.memory_space<vmem>>
    %dma_wait3A_324 = tpu.memref_squeeze %dma_wait3A_323 : memref<1x2x2048xf32, #tpu.memory_space<vmem>> -> memref<2x2048xf32, #tpu.memory_space<vmem>>
    %dma_wait3A_325 = arith.constant 0 : i32
    %dma_wait3A_326 = tpu.memref_slice %arg4[%add3A_152, %dma_wait3A_325] : memref<1024x2048xf32, #tpu.memory_space<hbm>> -> memref<2x2048xf32, #tpu.memory_space<hbm>>
    %dma_wait3A_327 = tpu.memref_slice %arg8[%dma_wait3A_320] : memref<4x!tpu.dma_semaphore, #tpu.memory_space<semaphore_mem>> -> memref<1x!tpu.dma_semaphore, #tpu.memory_space<semaphore_mem>>
    %dma_wait3A_328 = tpu.memref_squeeze %dma_wait3A_327 : memref<1x!tpu.dma_semaphore, #tpu.memory_space<semaphore_mem>> -> memref<!tpu.dma_semaphore, #tpu.memory_space<semaphore_mem>>
    %dma_wait3A_329 = arith.constant 0 : i32
    %dma_wait3A_330 = tpu.memref_slice %arg4[%add3A_152, %dma_wait3A_329] : memref<1024x2048xf32, #tpu.memory_space<hbm>> -> memref<2x2048xf32, #tpu.memory_space<hbm>>
    %dma_wait3A_331 = arith.constant 0 : i32
    %dma_wait3A_332 = arith.constant 0 : i32
    %dma_wait3A_333 = tpu.memref_slice %arg7[%dma_wait3A_319, %dma_wait3A_331, %dma_wait3A_332] : memref<4x2x2048xf32, #tpu.memory_space<vmem>> -> memref<1x2x2048xf32, #tpu.memory_space<vmem>>
    %dma_wait3A_334 = tpu.memref_squeeze %dma_wait3A_333 : memref<1x2x2048xf32, #tpu.memory_space<vmem>> -> memref<2x2048xf32, #tpu.memory_space<vmem>>
    tpu.wait_dma2 semaphore(%dma_wait3A_328 : memref<!tpu.dma_semaphore, #tpu.memory_space<semaphore_mem>>) src(%dma_wait3A_334 : memref<2x2048xf32, #tpu.memory_space<vmem>>) dst(%dma_wait3A_330 : memref<2x2048xf32, #tpu.memory_space<hbm>>)
    %get3A_335 = arith.constant 64 : index
    %get3A_336 = tpu.vector_load %arg6[%get3A_335] {strides = array<i32>} : memref<256xi32, #tpu.memory_space<vmem>>, vector<16xi32>,
    %scatter3A_337 = arith.constant 0 : i32
    %scatter3A_338 = arith.constant 0 : i32
    %scatter3A_339 = arith.constant 0 : i32
    %scatter3A_340 = tpu.memref_slice %arg7[%scatter3A_337, %scatter3A_338, %scatter3A_339] : memref<4x2x2048xf32, #tpu.memory_space<vmem>> -> memref<1x2x2048xf32, #tpu.memory_space<vmem>>
    %scatter3A_341 = tpu.memref_squeeze %scatter3A_340 : memref<1x2x2048xf32, #tpu.memory_space<vmem>> -> memref<2x2048xf32, #tpu.memory_space<vmem>>
    tpu.vector_store_idx %scatter3A_341[%shift_right_arithmetic3A_14, %get3A_336], %broadcast_in_dim3A_7 : memref<2x2048xf32, #tpu.memory_space<vmem>>[vector<16xi32>, vector<16xi32>], vector<16xf32>,
    %get3A_342 = arith.constant 128 : index
    %get3A_343 = tpu.vector_load %arg6[%get3A_342] {strides = array<i32>} : memref<256xi32, #tpu.memory_space<vmem>>, vector<16xi32>,
    %get3A_344 = arith.constant 128 : index
    %get3A_345 = tpu.vector_load %arg5[%get3A_344] {strides = array<i32>} : memref<256xf32, #tpu.memory_space<vmem>>, vector<16xf32>,
    %scatter3A_346 = arith.constant 0 : i32
    %scatter3A_347 = arith.constant 0 : i32
    %scatter3A_348 = arith.constant 0 : i32
    %scatter3A_349 = tpu.memref_slice %arg7[%scatter3A_346, %scatter3A_347, %scatter3A_348] : memref<4x2x2048xf32, #tpu.memory_space<vmem>> -> memref<1x2x2048xf32, #tpu.memory_space<vmem>>
    %scatter3A_350 = tpu.memref_squeeze %scatter3A_349 : memref<1x2x2048xf32, #tpu.memory_space<vmem>> -> memref<2x2048xf32, #tpu.memory_space<vmem>>
    tpu.vector_store_idx %scatter3A_350[%shift_right_arithmetic3A_14, %get3A_343], %get3A_345 : memref<2x2048xf32, #tpu.memory_space<vmem>>[vector<16xi32>, vector<16xi32>], vector<16xf32>,
    %add3A_351 = arith.constant 16 : i32
    %add3A_352 = arith.addi %mul3A_2, %add3A_351 : i32
    %dma_start3A_353 = arith.constant 0 : i32
    %dma_start3A_354 = arith.constant 0 : i32
    %dma_start3A_355 = arith.constant 0 : i32
    %dma_start3A_356 = arith.constant 0 : i32
    %dma_start3A_357 = tpu.memref_slice %arg7[%dma_start3A_353, %dma_start3A_355, %dma_start3A_356] : memref<4x2x2048xf32, #tpu.memory_space<vmem>> -> memref<1x2x2048xf32, #tpu.memory_space<vmem>>
    %dma_start3A_358 = tpu.memref_squeeze %dma_start3A_357 : memref<1x2x2048xf32, #tpu.memory_space<vmem>> -> memref<2x2048xf32, #tpu.memory_space<vmem>>
    %dma_start3A_359 = arith.constant 0 : i32
    %dma_start3A_360 = tpu.memref_slice %arg4[%add3A_352, %dma_start3A_359] : memref<1024x2048xf32, #tpu.memory_space<hbm>> -> memref<2x2048xf32, #tpu.memory_space<hbm>>
    %dma_start3A_361 = tpu.memref_slice %arg8[%dma_start3A_354] : memref<4x!tpu.dma_semaphore, #tpu.memory_space<semaphore_mem>> -> memref<1x!tpu.dma_semaphore, #tpu.memory_space<semaphore_mem>>
    %dma_start3A_362 = tpu.memref_squeeze %dma_start3A_361 : memref<1x!tpu.dma_semaphore, #tpu.memory_space<semaphore_mem>> -> memref<!tpu.dma_semaphore, #tpu.memory_space<semaphore_mem>>
    %dma_start3A_363 = arith.constant 0 : i32
    %dma_start3A_364 = tpu.memref_slice %arg4[%add3A_352, %dma_start3A_363] : memref<1024x2048xf32, #tpu.memory_space<hbm>> -> memref<2x2048xf32, #tpu.memory_space<hbm>>
    %dma_start3A_365 = arith.constant 0 : i32
    %dma_start3A_366 = arith.constant 0 : i32
    %dma_start3A_367 = tpu.memref_slice %arg7[%dma_start3A_353, %dma_start3A_365, %dma_start3A_366] : memref<4x2x2048xf32, #tpu.memory_space<vmem>> -> memref<1x2x2048xf32, #tpu.memory_space<vmem>>
    %dma_start3A_368 = tpu.memref_squeeze %dma_start3A_367 : memref<1x2x2048xf32, #tpu.memory_space<vmem>> -> memref<2x2048xf32, #tpu.memory_space<vmem>>
    tpu.enqueue_dma source(%dma_start3A_368 : memref<2x2048xf32, #tpu.memory_space<vmem>>) target(%dma_start3A_364 : memref<2x2048xf32, #tpu.memory_space<hbm>>) target_semaphore(%dma_start3A_362 : memref<!tpu.dma_semaphore, #tpu.memory_space<semaphore_mem>>)
    %dma_wait3A_369 = arith.constant 1 : i32
    %dma_wait3A_370 = arith.constant 1 : i32
    %dma_wait3A_371 = arith.constant 0 : i32
    %dma_wait3A_372 = arith.constant 0 : i32
    %dma_wait3A_373 = tpu.memref_slice %arg7[%dma_wait3A_369, %dma_wait3A_371, %dma_wait3A_372] : memref<4x2x2048xf32, #tpu.memory_space<vmem>> -> memref<1x2x2048xf32, #tpu.memory_space<vmem>>
    %dma_wait3A_374 = tpu.memref_squeeze %dma_wait3A_373 : memref<1x2x2048xf32, #tpu.memory_space<vmem>> -> memref<2x2048xf32, #tpu.memory_space<vmem>>
    %dma_wait3A_375 = arith.constant 0 : i32
    %dma_wait3A_376 = tpu.memref_slice %arg4[%add3A_202, %dma_wait3A_375] : memref<1024x2048xf32, #tpu.memory_space<hbm>> -> memref<2x2048xf32, #tpu.memory_space<hbm>>
    %dma_wait3A_377 = tpu.memref_slice %arg8[%dma_wait3A_370] : memref<4x!tpu.dma_semaphore, #tpu.memory_space<semaphore_mem>> -> memref<1x!tpu.dma_semaphore, #tpu.memory_space<semaphore_mem>>
    %dma_wait3A_378 = tpu.memref_squeeze %dma_wait3A_377 : memref<1x!tpu.dma_semaphore, #tpu.memory_space<semaphore_mem>> -> memref<!tpu.dma_semaphore, #tpu.memory_space<semaphore_mem>>
    %dma_wait3A_379 = arith.constant 0 : i32
    %dma_wait3A_380 = tpu.memref_slice %arg4[%add3A_202, %dma_wait3A_379] : memref<1024x2048xf32, #tpu.memory_space<hbm>> -> memref<2x2048xf32, #tpu.memory_space<hbm>>
    %dma_wait3A_381 = arith.constant 0 : i32
    %dma_wait3A_382 = arith.constant 0 : i32
    %dma_wait3A_383 = tpu.memref_slice %arg7[%dma_wait3A_369, %dma_wait3A_381, %dma_wait3A_382] : memref<4x2x2048xf32, #tpu.memory_space<vmem>> -> memref<1x2x2048xf32, #tpu.memory_space<vmem>>
    %dma_wait3A_384 = tpu.memref_squeeze %dma_wait3A_383 : memref<1x2x2048xf32, #tpu.memory_space<vmem>> -> memref<2x2048xf32, #tpu.memory_space<vmem>>
    tpu.wait_dma2 semaphore(%dma_wait3A_378 : memref<!tpu.dma_semaphore, #tpu.memory_space<semaphore_mem>>) src(%dma_wait3A_384 : memref<2x2048xf32, #tpu.memory_space<vmem>>) dst(%dma_wait3A_380 : memref<2x2048xf32, #tpu.memory_space<hbm>>)
    %get3A_385 = arith.constant 80 : index
    %get3A_386 = tpu.vector_load %arg6[%get3A_385] {strides = array<i32>} : memref<256xi32, #tpu.memory_space<vmem>>, vector<16xi32>,
    %scatter3A_387 = arith.constant 1 : i32
    %scatter3A_388 = arith.constant 0 : i32
    %scatter3A_389 = arith.constant 0 : i32
    %scatter3A_390 = tpu.memref_slice %arg7[%scatter3A_387, %scatter3A_388, %scatter3A_389] : memref<4x2x2048xf32, #tpu.memory_space<vmem>> -> memref<1x2x2048xf32, #tpu.memory_space<vmem>>
    %scatter3A_391 = tpu.memref_squeeze %scatter3A_390 : memref<1x2x2048xf32, #tpu.memory_space<vmem>> -> memref<2x2048xf32, #tpu.memory_space<vmem>>
    tpu.vector_store_idx %scatter3A_391[%shift_right_arithmetic3A_14, %get3A_386], %broadcast_in_dim3A_7 : memref<2x2048xf32, #tpu.memory_space<vmem>>[vector<16xi32>, vector<16xi32>], vector<16xf32>,
    %get3A_392 = arith.constant 144 : index
    %get3A_393 = tpu.vector_load %arg6[%get3A_392] {strides = array<i32>} : memref<256xi32, #tpu.memory_space<vmem>>, vector<16xi32>,
    %get3A_394 = arith.constant 144 : index
    %get3A_395 = tpu.vector_load %arg5[%get3A_394] {strides = array<i32>} : memref<256xf32, #tpu.memory_space<vmem>>, vector<16xf32>,
    %scatter3A_396 = arith.constant 1 : i32
    %scatter3A_397 = arith.constant 0 : i32
    %scatter3A_398 = arith.constant 0 : i32
    %scatter3A_399 = tpu.memref_slice %arg7[%scatter3A_396, %scatter3A_397, %scatter3A_398] : memref<4x2x2048xf32, #tpu.memory_space<vmem>> -> memref<1x2x2048xf32, #tpu.memory_space<vmem>>
    %scatter3A_400 = tpu.memref_squeeze %scatter3A_399 : memref<1x2x2048xf32, #tpu.memory_space<vmem>> -> memref<2x2048xf32, #tpu.memory_space<vmem>>
    tpu.vector_store_idx %scatter3A_400[%shift_right_arithmetic3A_14, %get3A_393], %get3A_395 : memref<2x2048xf32, #tpu.memory_space<vmem>>[vector<16xi32>, vector<16xi32>], vector<16xf32>,
    %add3A_401 = arith.constant 18 : i32
    %add3A_402 = arith.addi %mul3A_2, %add3A_401 : i32
    %dma_start3A_403 = arith.constant 1 : i32
    %dma_start3A_404 = arith.constant 1 : i32
    %dma_start3A_405 = arith.constant 0 : i32
    %dma_start3A_406 = arith.constant 0 : i32
    %dma_start3A_407 = tpu.memref_slice %arg7[%dma_start3A_403, %dma_start3A_405, %dma_start3A_406] : memref<4x2x2048xf32, #tpu.memory_space<vmem>> -> memref<1x2x2048xf32, #tpu.memory_space<vmem>>
    %dma_start3A_408 = tpu.memref_squeeze %dma_start3A_407 : memref<1x2x2048xf32, #tpu.memory_space<vmem>> -> memref<2x2048xf32, #tpu.memory_space<vmem>>
    %dma_start3A_409 = arith.constant 0 : i32
    %dma_start3A_410 = tpu.memref_slice %arg4[%add3A_402, %dma_start3A_409] : memref<1024x2048xf32, #tpu.memory_space<hbm>> -> memref<2x2048xf32, #tpu.memory_space<hbm>>
    %dma_start3A_411 = tpu.memref_slice %arg8[%dma_start3A_404] : memref<4x!tpu.dma_semaphore, #tpu.memory_space<semaphore_mem>> -> memref<1x!tpu.dma_semaphore, #tpu.memory_space<semaphore_mem>>
    %dma_start3A_412 = tpu.memref_squeeze %dma_start3A_411 : memref<1x!tpu.dma_semaphore, #tpu.memory_space<semaphore_mem>> -> memref<!tpu.dma_semaphore, #tpu.memory_space<semaphore_mem>>
    %dma_start3A_413 = arith.constant 0 : i32
    %dma_start3A_414 = tpu.memref_slice %arg4[%add3A_402, %dma_start3A_413] : memref<1024x2048xf32, #tpu.memory_space<hbm>> -> memref<2x2048xf32, #tpu.memory_space<hbm>>
    %dma_start3A_415 = arith.constant 0 : i32
    %dma_start3A_416 = arith.constant 0 : i32
    %dma_start3A_417 = tpu.memref_slice %arg7[%dma_start3A_403, %dma_start3A_415, %dma_start3A_416] : memref<4x2x2048xf32, #tpu.memory_space<vmem>> -> memref<1x2x2048xf32, #tpu.memory_space<vmem>>
    %dma_start3A_418 = tpu.memref_squeeze %dma_start3A_417 : memref<1x2x2048xf32, #tpu.memory_space<vmem>> -> memref<2x2048xf32, #tpu.memory_space<vmem>>
    tpu.enqueue_dma source(%dma_start3A_418 : memref<2x2048xf32, #tpu.memory_space<vmem>>) target(%dma_start3A_414 : memref<2x2048xf32, #tpu.memory_space<hbm>>) target_semaphore(%dma_start3A_412 : memref<!tpu.dma_semaphore, #tpu.memory_space<semaphore_mem>>)
    %dma_wait3A_419 = arith.constant 2 : i32
    %dma_wait3A_420 = arith.constant 2 : i32
    %dma_wait3A_421 = arith.constant 0 : i32
    %dma_wait3A_422 = arith.constant 0 : i32
    %dma_wait3A_423 = tpu.memref_slice %arg7[%dma_wait3A_419, %dma_wait3A_421, %dma_wait3A_422] : memref<4x2x2048xf32, #tpu.memory_space<vmem>> -> memref<1x2x2048xf32, #tpu.memory_space<vmem>>
    %dma_wait3A_424 = tpu.memref_squeeze %dma_wait3A_423 : memref<1x2x2048xf32, #tpu.memory_space<vmem>> -> memref<2x2048xf32, #tpu.memory_space<vmem>>
    %dma_wait3A_425 = arith.constant 0 : i32
    %dma_wait3A_426 = tpu.memref_slice %arg4[%add3A_252, %dma_wait3A_425] : memref<1024x2048xf32, #tpu.memory_space<hbm>> -> memref<2x2048xf32, #tpu.memory_space<hbm>>
    %dma_wait3A_427 = tpu.memref_slice %arg8[%dma_wait3A_420] : memref<4x!tpu.dma_semaphore, #tpu.memory_space<semaphore_mem>> -> memref<1x!tpu.dma_semaphore, #tpu.memory_space<semaphore_mem>>
    %dma_wait3A_428 = tpu.memref_squeeze %dma_wait3A_427 : memref<1x!tpu.dma_semaphore, #tpu.memory_space<semaphore_mem>> -> memref<!tpu.dma_semaphore, #tpu.memory_space<semaphore_mem>>
    %dma_wait3A_429 = arith.constant 0 : i32
    %dma_wait3A_430 = tpu.memref_slice %arg4[%add3A_252, %dma_wait3A_429] : memref<1024x2048xf32, #tpu.memory_space<hbm>> -> memref<2x2048xf32, #tpu.memory_space<hbm>>
    %dma_wait3A_431 = arith.constant 0 : i32
    %dma_wait3A_432 = arith.constant 0 : i32
    %dma_wait3A_433 = tpu.memref_slice %arg7[%dma_wait3A_419, %dma_wait3A_431, %dma_wait3A_432] : memref<4x2x2048xf32, #tpu.memory_space<vmem>> -> memref<1x2x2048xf32, #tpu.memory_space<vmem>>
    %dma_wait3A_434 = tpu.memref_squeeze %dma_wait3A_433 : memref<1x2x2048xf32, #tpu.memory_space<vmem>> -> memref<2x2048xf32, #tpu.memory_space<vmem>>
    tpu.wait_dma2 semaphore(%dma_wait3A_428 : memref<!tpu.dma_semaphore, #tpu.memory_space<semaphore_mem>>) src(%dma_wait3A_434 : memref<2x2048xf32, #tpu.memory_space<vmem>>) dst(%dma_wait3A_430 : memref<2x2048xf32, #tpu.memory_space<hbm>>)
    %get3A_435 = arith.constant 96 : index
    %get3A_436 = tpu.vector_load %arg6[%get3A_435] {strides = array<i32>} : memref<256xi32, #tpu.memory_space<vmem>>, vector<16xi32>,
    %scatter3A_437 = arith.constant 2 : i32
    %scatter3A_438 = arith.constant 0 : i32
    %scatter3A_439 = arith.constant 0 : i32
    %scatter3A_440 = tpu.memref_slice %arg7[%scatter3A_437, %scatter3A_438, %scatter3A_439] : memref<4x2x2048xf32, #tpu.memory_space<vmem>> -> memref<1x2x2048xf32, #tpu.memory_space<vmem>>
    %scatter3A_441 = tpu.memref_squeeze %scatter3A_440 : memref<1x2x2048xf32, #tpu.memory_space<vmem>> -> memref<2x2048xf32, #tpu.memory_space<vmem>>
    tpu.vector_store_idx %scatter3A_441[%shift_right_arithmetic3A_14, %get3A_436], %broadcast_in_dim3A_7 : memref<2x2048xf32, #tpu.memory_space<vmem>>[vector<16xi32>, vector<16xi32>], vector<16xf32>,
    %get3A_442 = arith.constant 160 : index
    %get3A_443 = tpu.vector_load %arg6[%get3A_442] {strides = array<i32>} : memref<256xi32, #tpu.memory_space<vmem>>, vector<16xi32>,
    %get3A_444 = arith.constant 160 : index
    %get3A_445 = tpu.vector_load %arg5[%get3A_444] {strides = array<i32>} : memref<256xf32, #tpu.memory_space<vmem>>, vector<16xf32>,
    %scatter3A_446 = arith.constant 2 : i32
    %scatter3A_447 = arith.constant 0 : i32
    %scatter3A_448 = arith.constant 0 : i32
    %scatter3A_449 = tpu.memref_slice %arg7[%scatter3A_446, %scatter3A_447, %scatter3A_448] : memref<4x2x2048xf32, #tpu.memory_space<vmem>> -> memref<1x2x2048xf32, #tpu.memory_space<vmem>>
    %scatter3A_450 = tpu.memref_squeeze %scatter3A_449 : memref<1x2x2048xf32, #tpu.memory_space<vmem>> -> memref<2x2048xf32, #tpu.memory_space<vmem>>
    tpu.vector_store_idx %scatter3A_450[%shift_right_arithmetic3A_14, %get3A_443], %get3A_445 : memref<2x2048xf32, #tpu.memory_space<vmem>>[vector<16xi32>, vector<16xi32>], vector<16xf32>,
    %add3A_451 = arith.constant 20 : i32
    %add3A_452 = arith.addi %mul3A_2, %add3A_451 : i32
    %dma_start3A_453 = arith.constant 2 : i32
    %dma_start3A_454 = arith.constant 2 : i32
    %dma_start3A_455 = arith.constant 0 : i32
    %dma_start3A_456 = arith.constant 0 : i32
    %dma_start3A_457 = tpu.memref_slice %arg7[%dma_start3A_453, %dma_start3A_455, %dma_start3A_456] : memref<4x2x2048xf32, #tpu.memory_space<vmem>> -> memref<1x2x2048xf32, #tpu.memory_space<vmem>>
    %dma_start3A_458 = tpu.memref_squeeze %dma_start3A_457 : memref<1x2x2048xf32, #tpu.memory_space<vmem>> -> memref<2x2048xf32, #tpu.memory_space<vmem>>
    %dma_start3A_459 = arith.constant 0 : i32
    %dma_start3A_460 = tpu.memref_slice %arg4[%add3A_452, %dma_start3A_459] : memref<1024x2048xf32, #tpu.memory_space<hbm>> -> memref<2x2048xf32, #tpu.memory_space<hbm>>
    %dma_start3A_461 = tpu.memref_slice %arg8[%dma_start3A_454] : memref<4x!tpu.dma_semaphore, #tpu.memory_space<semaphore_mem>> -> memref<1x!tpu.dma_semaphore, #tpu.memory_space<semaphore_mem>>
    %dma_start3A_462 = tpu.memref_squeeze %dma_start3A_461 : memref<1x!tpu.dma_semaphore, #tpu.memory_space<semaphore_mem>> -> memref<!tpu.dma_semaphore, #tpu.memory_space<semaphore_mem>>
    %dma_start3A_463 = arith.constant 0 : i32
    %dma_start3A_464 = tpu.memref_slice %arg4[%add3A_452, %dma_start3A_463] : memref<1024x2048xf32, #tpu.memory_space<hbm>> -> memref<2x2048xf32, #tpu.memory_space<hbm>>
    %dma_start3A_465 = arith.constant 0 : i32
    %dma_start3A_466 = arith.constant 0 : i32
    %dma_start3A_467 = tpu.memref_slice %arg7[%dma_start3A_453, %dma_start3A_465, %dma_start3A_466] : memref<4x2x2048xf32, #tpu.memory_space<vmem>> -> memref<1x2x2048xf32, #tpu.memory_space<vmem>>
    %dma_start3A_468 = tpu.memref_squeeze %dma_start3A_467 : memref<1x2x2048xf32, #tpu.memory_space<vmem>> -> memref<2x2048xf32, #tpu.memory_space<vmem>>
    tpu.enqueue_dma source(%dma_start3A_468 : memref<2x2048xf32, #tpu.memory_space<vmem>>) target(%dma_start3A_464 : memref<2x2048xf32, #tpu.memory_space<hbm>>) target_semaphore(%dma_start3A_462 : memref<!tpu.dma_semaphore, #tpu.memory_space<semaphore_mem>>)
    %dma_wait3A_469 = arith.constant 3 : i32
    %dma_wait3A_470 = arith.constant 3 : i32
    %dma_wait3A_471 = arith.constant 0 : i32
    %dma_wait3A_472 = arith.constant 0 : i32
    %dma_wait3A_473 = tpu.memref_slice %arg7[%dma_wait3A_469, %dma_wait3A_471, %dma_wait3A_472] : memref<4x2x2048xf32, #tpu.memory_space<vmem>> -> memref<1x2x2048xf32, #tpu.memory_space<vmem>>
    %dma_wait3A_474 = tpu.memref_squeeze %dma_wait3A_473 : memref<1x2x2048xf32, #tpu.memory_space<vmem>> -> memref<2x2048xf32, #tpu.memory_space<vmem>>
    %dma_wait3A_475 = arith.constant 0 : i32
    %dma_wait3A_476 = tpu.memref_slice %arg4[%add3A_302, %dma_wait3A_475] : memref<1024x2048xf32, #tpu.memory_space<hbm>> -> memref<2x2048xf32, #tpu.memory_space<hbm>>
    %dma_wait3A_477 = tpu.memref_slice %arg8[%dma_wait3A_470] : memref<4x!tpu.dma_semaphore, #tpu.memory_space<semaphore_mem>> -> memref<1x!tpu.dma_semaphore, #tpu.memory_space<semaphore_mem>>
    %dma_wait3A_478 = tpu.memref_squeeze %dma_wait3A_477 : memref<1x!tpu.dma_semaphore, #tpu.memory_space<semaphore_mem>> -> memref<!tpu.dma_semaphore, #tpu.memory_space<semaphore_mem>>
    %dma_wait3A_479 = arith.constant 0 : i32
    %dma_wait3A_480 = tpu.memref_slice %arg4[%add3A_302, %dma_wait3A_479] : memref<1024x2048xf32, #tpu.memory_space<hbm>> -> memref<2x2048xf32, #tpu.memory_space<hbm>>
    %dma_wait3A_481 = arith.constant 0 : i32
    %dma_wait3A_482 = arith.constant 0 : i32
    %dma_wait3A_483 = tpu.memref_slice %arg7[%dma_wait3A_469, %dma_wait3A_481, %dma_wait3A_482] : memref<4x2x2048xf32, #tpu.memory_space<vmem>> -> memref<1x2x2048xf32, #tpu.memory_space<vmem>>
    %dma_wait3A_484 = tpu.memref_squeeze %dma_wait3A_483 : memref<1x2x2048xf32, #tpu.memory_space<vmem>> -> memref<2x2048xf32, #tpu.memory_space<vmem>>
    tpu.wait_dma2 semaphore(%dma_wait3A_478 : memref<!tpu.dma_semaphore, #tpu.memory_space<semaphore_mem>>) src(%dma_wait3A_484 : memref<2x2048xf32, #tpu.memory_space<vmem>>) dst(%dma_wait3A_480 : memref<2x2048xf32, #tpu.memory_space<hbm>>)
    %get3A_485 = arith.constant 112 : index
    %get3A_486 = tpu.vector_load %arg6[%get3A_485] {strides = array<i32>} : memref<256xi32, #tpu.memory_space<vmem>>, vector<16xi32>,
    %scatter3A_487 = arith.constant 3 : i32
    %scatter3A_488 = arith.constant 0 : i32
    %scatter3A_489 = arith.constant 0 : i32
    %scatter3A_490 = tpu.memref_slice %arg7[%scatter3A_487, %scatter3A_488, %scatter3A_489] : memref<4x2x2048xf32, #tpu.memory_space<vmem>> -> memref<1x2x2048xf32, #tpu.memory_space<vmem>>
    %scatter3A_491 = tpu.memref_squeeze %scatter3A_490 : memref<1x2x2048xf32, #tpu.memory_space<vmem>> -> memref<2x2048xf32, #tpu.memory_space<vmem>>
    tpu.vector_store_idx %scatter3A_491[%shift_right_arithmetic3A_14, %get3A_486], %broadcast_in_dim3A_7 : memref<2x2048xf32, #tpu.memory_space<vmem>>[vector<16xi32>, vector<16xi32>], vector<16xf32>,
    %get3A_492 = arith.constant 176 : index
    %get3A_493 = tpu.vector_load %arg6[%get3A_492] {strides = array<i32>} : memref<256xi32, #tpu.memory_space<vmem>>, vector<16xi32>,
    %get3A_494 = arith.constant 176 : index
    %get3A_495 = tpu.vector_load %arg5[%get3A_494] {strides = array<i32>} : memref<256xf32, #tpu.memory_space<vmem>>, vector<16xf32>,
    %scatter3A_496 = arith.constant 3 : i32
    %scatter3A_497 = arith.constant 0 : i32
    %scatter3A_498 = arith.constant 0 : i32
    %scatter3A_499 = tpu.memref_slice %arg7[%scatter3A_496, %scatter3A_497, %scatter3A_498] : memref<4x2x2048xf32, #tpu.memory_space<vmem>> -> memref<1x2x2048xf32, #tpu.memory_space<vmem>>
    %scatter3A_500 = tpu.memref_squeeze %scatter3A_499 : memref<1x2x2048xf32, #tpu.memory_space<vmem>> -> memref<2x2048xf32, #tpu.memory_space<vmem>>
    tpu.vector_store_idx %scatter3A_500[%shift_right_arithmetic3A_14, %get3A_493], %get3A_495 : memref<2x2048xf32, #tpu.memory_space<vmem>>[vector<16xi32>, vector<16xi32>], vector<16xf32>,
    %add3A_501 = arith.constant 22 : i32
    %add3A_502 = arith.addi %mul3A_2, %add3A_501 : i32
    %dma_start3A_503 = arith.constant 3 : i32
    %dma_start3A_504 = arith.constant 3 : i32
    %dma_start3A_505 = arith.constant 0 : i32
    %dma_start3A_506 = arith.constant 0 : i32
    %dma_start3A_507 = tpu.memref_slice %arg7[%dma_start3A_503, %dma_start3A_505, %dma_start3A_506] : memref<4x2x2048xf32, #tpu.memory_space<vmem>> -> memref<1x2x2048xf32, #tpu.memory_space<vmem>>
    %dma_start3A_508 = tpu.memref_squeeze %dma_start3A_507 : memref<1x2x2048xf32, #tpu.memory_space<vmem>> -> memref<2x2048xf32, #tpu.memory_space<vmem>>
    %dma_start3A_509 = arith.constant 0 : i32
    %dma_start3A_510 = tpu.memref_slice %arg4[%add3A_502, %dma_start3A_509] : memref<1024x2048xf32, #tpu.memory_space<hbm>> -> memref<2x2048xf32, #tpu.memory_space<hbm>>
    %dma_start3A_511 = tpu.memref_slice %arg8[%dma_start3A_504] : memref<4x!tpu.dma_semaphore, #tpu.memory_space<semaphore_mem>> -> memref<1x!tpu.dma_semaphore, #tpu.memory_space<semaphore_mem>>
    %dma_start3A_512 = tpu.memref_squeeze %dma_start3A_511 : memref<1x!tpu.dma_semaphore, #tpu.memory_space<semaphore_mem>> -> memref<!tpu.dma_semaphore, #tpu.memory_space<semaphore_mem>>
    %dma_start3A_513 = arith.constant 0 : i32
    %dma_start3A_514 = tpu.memref_slice %arg4[%add3A_502, %dma_start3A_513] : memref<1024x2048xf32, #tpu.memory_space<hbm>> -> memref<2x2048xf32, #tpu.memory_space<hbm>>
    %dma_start3A_515 = arith.constant 0 : i32
    %dma_start3A_516 = arith.constant 0 : i32
    %dma_start3A_517 = tpu.memref_slice %arg7[%dma_start3A_503, %dma_start3A_515, %dma_start3A_516] : memref<4x2x2048xf32, #tpu.memory_space<vmem>> -> memref<1x2x2048xf32, #tpu.memory_space<vmem>>
    %dma_start3A_518 = tpu.memref_squeeze %dma_start3A_517 : memref<1x2x2048xf32, #tpu.memory_space<vmem>> -> memref<2x2048xf32, #tpu.memory_space<vmem>>
    tpu.enqueue_dma source(%dma_start3A_518 : memref<2x2048xf32, #tpu.memory_space<vmem>>) target(%dma_start3A_514 : memref<2x2048xf32, #tpu.memory_space<hbm>>) target_semaphore(%dma_start3A_512 : memref<!tpu.dma_semaphore, #tpu.memory_space<semaphore_mem>>)
    %dma_wait3A_519 = arith.constant 0 : i32
    %dma_wait3A_520 = arith.constant 0 : i32
    %dma_wait3A_521 = arith.constant 0 : i32
    %dma_wait3A_522 = arith.constant 0 : i32
    %dma_wait3A_523 = tpu.memref_slice %arg7[%dma_wait3A_519, %dma_wait3A_521, %dma_wait3A_522] : memref<4x2x2048xf32, #tpu.memory_space<vmem>> -> memref<1x2x2048xf32, #tpu.memory_space<vmem>>
    %dma_wait3A_524 = tpu.memref_squeeze %dma_wait3A_523 : memref<1x2x2048xf32, #tpu.memory_space<vmem>> -> memref<2x2048xf32, #tpu.memory_space<vmem>>
    %dma_wait3A_525 = arith.constant 0 : i32
    %dma_wait3A_526 = tpu.memref_slice %arg4[%add3A_352, %dma_wait3A_525] : memref<1024x2048xf32, #tpu.memory_space<hbm>> -> memref<2x2048xf32, #tpu.memory_space<hbm>>
    %dma_wait3A_527 = tpu.memref_slice %arg8[%dma_wait3A_520] : memref<4x!tpu.dma_semaphore, #tpu.memory_space<semaphore_mem>> -> memref<1x!tpu.dma_semaphore, #tpu.memory_space<semaphore_mem>>
    %dma_wait3A_528 = tpu.memref_squeeze %dma_wait3A_527 : memref<1x!tpu.dma_semaphore, #tpu.memory_space<semaphore_mem>> -> memref<!tpu.dma_semaphore, #tpu.memory_space<semaphore_mem>>
    %dma_wait3A_529 = arith.constant 0 : i32
    %dma_wait3A_530 = tpu.memref_slice %arg4[%add3A_352, %dma_wait3A_529] : memref<1024x2048xf32, #tpu.memory_space<hbm>> -> memref<2x2048xf32, #tpu.memory_space<hbm>>
    %dma_wait3A_531 = arith.constant 0 : i32
    %dma_wait3A_532 = arith.constant 0 : i32
    %dma_wait3A_533 = tpu.memref_slice %arg7[%dma_wait3A_519, %dma_wait3A_531, %dma_wait3A_532] : memref<4x2x2048xf32, #tpu.memory_space<vmem>> -> memref<1x2x2048xf32, #tpu.memory_space<vmem>>
    %dma_wait3A_534 = tpu.memref_squeeze %dma_wait3A_533 : memref<1x2x2048xf32, #tpu.memory_space<vmem>> -> memref<2x2048xf32, #tpu.memory_space<vmem>>
    tpu.wait_dma2 semaphore(%dma_wait3A_528 : memref<!tpu.dma_semaphore, #tpu.memory_space<semaphore_mem>>) src(%dma_wait3A_534 : memref<2x2048xf32, #tpu.memory_space<vmem>>) dst(%dma_wait3A_530 : memref<2x2048xf32, #tpu.memory_space<hbm>>)
    %get3A_535 = arith.constant 128 : index
    %get3A_536 = tpu.vector_load %arg6[%get3A_535] {strides = array<i32>} : memref<256xi32, #tpu.memory_space<vmem>>, vector<16xi32>,
    %scatter3A_537 = arith.constant 0 : i32
    %scatter3A_538 = arith.constant 0 : i32
    %scatter3A_539 = arith.constant 0 : i32
    %scatter3A_540 = tpu.memref_slice %arg7[%scatter3A_537, %scatter3A_538, %scatter3A_539] : memref<4x2x2048xf32, #tpu.memory_space<vmem>> -> memref<1x2x2048xf32, #tpu.memory_space<vmem>>
    %scatter3A_541 = tpu.memref_squeeze %scatter3A_540 : memref<1x2x2048xf32, #tpu.memory_space<vmem>> -> memref<2x2048xf32, #tpu.memory_space<vmem>>
    tpu.vector_store_idx %scatter3A_541[%shift_right_arithmetic3A_14, %get3A_536], %broadcast_in_dim3A_7 : memref<2x2048xf32, #tpu.memory_space<vmem>>[vector<16xi32>, vector<16xi32>], vector<16xf32>,
    %get3A_542 = arith.constant 192 : index
    %get3A_543 = tpu.vector_load %arg6[%get3A_542] {strides = array<i32>} : memref<256xi32, #tpu.memory_space<vmem>>, vector<16xi32>,
    %get3A_544 = arith.constant 192 : index
    %get3A_545 = tpu.vector_load %arg5[%get3A_544] {strides = array<i32>} : memref<256xf32, #tpu.memory_space<vmem>>, vector<16xf32>,
    %scatter3A_546 = arith.constant 0 : i32
    %scatter3A_547 = arith.constant 0 : i32
    %scatter3A_548 = arith.constant 0 : i32
    %scatter3A_549 = tpu.memref_slice %arg7[%scatter3A_546, %scatter3A_547, %scatter3A_548] : memref<4x2x2048xf32, #tpu.memory_space<vmem>> -> memref<1x2x2048xf32, #tpu.memory_space<vmem>>
    %scatter3A_550 = tpu.memref_squeeze %scatter3A_549 : memref<1x2x2048xf32, #tpu.memory_space<vmem>> -> memref<2x2048xf32, #tpu.memory_space<vmem>>
    tpu.vector_store_idx %scatter3A_550[%shift_right_arithmetic3A_14, %get3A_543], %get3A_545 : memref<2x2048xf32, #tpu.memory_space<vmem>>[vector<16xi32>, vector<16xi32>], vector<16xf32>,
    %add3A_551 = arith.constant 24 : i32
    %add3A_552 = arith.addi %mul3A_2, %add3A_551 : i32
    %dma_start3A_553 = arith.constant 0 : i32
    %dma_start3A_554 = arith.constant 0 : i32
    %dma_start3A_555 = arith.constant 0 : i32
    %dma_start3A_556 = arith.constant 0 : i32
    %dma_start3A_557 = tpu.memref_slice %arg7[%dma_start3A_553, %dma_start3A_555, %dma_start3A_556] : memref<4x2x2048xf32, #tpu.memory_space<vmem>> -> memref<1x2x2048xf32, #tpu.memory_space<vmem>>
    %dma_start3A_558 = tpu.memref_squeeze %dma_start3A_557 : memref<1x2x2048xf32, #tpu.memory_space<vmem>> -> memref<2x2048xf32, #tpu.memory_space<vmem>>
    %dma_start3A_559 = arith.constant 0 : i32
    %dma_start3A_560 = tpu.memref_slice %arg4[%add3A_552, %dma_start3A_559] : memref<1024x2048xf32, #tpu.memory_space<hbm>> -> memref<2x2048xf32, #tpu.memory_space<hbm>>
    %dma_start3A_561 = tpu.memref_slice %arg8[%dma_start3A_554] : memref<4x!tpu.dma_semaphore, #tpu.memory_space<semaphore_mem>> -> memref<1x!tpu.dma_semaphore, #tpu.memory_space<semaphore_mem>>
    %dma_start3A_562 = tpu.memref_squeeze %dma_start3A_561 : memref<1x!tpu.dma_semaphore, #tpu.memory_space<semaphore_mem>> -> memref<!tpu.dma_semaphore, #tpu.memory_space<semaphore_mem>>
    %dma_start3A_563 = arith.constant 0 : i32
    %dma_start3A_564 = tpu.memref_slice %arg4[%add3A_552, %dma_start3A_563] : memref<1024x2048xf32, #tpu.memory_space<hbm>> -> memref<2x2048xf32, #tpu.memory_space<hbm>>
    %dma_start3A_565 = arith.constant 0 : i32
    %dma_start3A_566 = arith.constant 0 : i32
    %dma_start3A_567 = tpu.memref_slice %arg7[%dma_start3A_553, %dma_start3A_565, %dma_start3A_566] : memref<4x2x2048xf32, #tpu.memory_space<vmem>> -> memref<1x2x2048xf32, #tpu.memory_space<vmem>>
    %dma_start3A_568 = tpu.memref_squeeze %dma_start3A_567 : memref<1x2x2048xf32, #tpu.memory_space<vmem>> -> memref<2x2048xf32, #tpu.memory_space<vmem>>
    tpu.enqueue_dma source(%dma_start3A_568 : memref<2x2048xf32, #tpu.memory_space<vmem>>) target(%dma_start3A_564 : memref<2x2048xf32, #tpu.memory_space<hbm>>) target_semaphore(%dma_start3A_562 : memref<!tpu.dma_semaphore, #tpu.memory_space<semaphore_mem>>)
    %dma_wait3A_569 = arith.constant 1 : i32
    %dma_wait3A_570 = arith.constant 1 : i32
    %dma_wait3A_571 = arith.constant 0 : i32
    %dma_wait3A_572 = arith.constant 0 : i32
    %dma_wait3A_573 = tpu.memref_slice %arg7[%dma_wait3A_569, %dma_wait3A_571, %dma_wait3A_572] : memref<4x2x2048xf32, #tpu.memory_space<vmem>> -> memref<1x2x2048xf32, #tpu.memory_space<vmem>>
    %dma_wait3A_574 = tpu.memref_squeeze %dma_wait3A_573 : memref<1x2x2048xf32, #tpu.memory_space<vmem>> -> memref<2x2048xf32, #tpu.memory_space<vmem>>
    %dma_wait3A_575 = arith.constant 0 : i32
    %dma_wait3A_576 = tpu.memref_slice %arg4[%add3A_402, %dma_wait3A_575] : memref<1024x2048xf32, #tpu.memory_space<hbm>> -> memref<2x2048xf32, #tpu.memory_space<hbm>>
    %dma_wait3A_577 = tpu.memref_slice %arg8[%dma_wait3A_570] : memref<4x!tpu.dma_semaphore, #tpu.memory_space<semaphore_mem>> -> memref<1x!tpu.dma_semaphore, #tpu.memory_space<semaphore_mem>>
    %dma_wait3A_578 = tpu.memref_squeeze %dma_wait3A_577 : memref<1x!tpu.dma_semaphore, #tpu.memory_space<semaphore_mem>> -> memref<!tpu.dma_semaphore, #tpu.memory_space<semaphore_mem>>
    %dma_wait3A_579 = arith.constant 0 : i32
    %dma_wait3A_580 = tpu.memref_slice %arg4[%add3A_402, %dma_wait3A_579] : memref<1024x2048xf32, #tpu.memory_space<hbm>> -> memref<2x2048xf32, #tpu.memory_space<hbm>>
    %dma_wait3A_581 = arith.constant 0 : i32
    %dma_wait3A_582 = arith.constant 0 : i32
    %dma_wait3A_583 = tpu.memref_slice %arg7[%dma_wait3A_569, %dma_wait3A_581, %dma_wait3A_582] : memref<4x2x2048xf32, #tpu.memory_space<vmem>> -> memref<1x2x2048xf32, #tpu.memory_space<vmem>>
    %dma_wait3A_584 = tpu.memref_squeeze %dma_wait3A_583 : memref<1x2x2048xf32, #tpu.memory_space<vmem>> -> memref<2x2048xf32, #tpu.memory_space<vmem>>
    tpu.wait_dma2 semaphore(%dma_wait3A_578 : memref<!tpu.dma_semaphore, #tpu.memory_space<semaphore_mem>>) src(%dma_wait3A_584 : memref<2x2048xf32, #tpu.memory_space<vmem>>) dst(%dma_wait3A_580 : memref<2x2048xf32, #tpu.memory_space<hbm>>)
    %get3A_585 = arith.constant 144 : index
    %get3A_586 = tpu.vector_load %arg6[%get3A_585] {strides = array<i32>} : memref<256xi32, #tpu.memory_space<vmem>>, vector<16xi32>,
    %scatter3A_587 = arith.constant 1 : i32
    %scatter3A_588 = arith.constant 0 : i32
    %scatter3A_589 = arith.constant 0 : i32
    %scatter3A_590 = tpu.memref_slice %arg7[%scatter3A_587, %scatter3A_588, %scatter3A_589] : memref<4x2x2048xf32, #tpu.memory_space<vmem>> -> memref<1x2x2048xf32, #tpu.memory_space<vmem>>
    %scatter3A_591 = tpu.memref_squeeze %scatter3A_590 : memref<1x2x2048xf32, #tpu.memory_space<vmem>> -> memref<2x2048xf32, #tpu.memory_space<vmem>>
    tpu.vector_store_idx %scatter3A_591[%shift_right_arithmetic3A_14, %get3A_586], %broadcast_in_dim3A_7 : memref<2x2048xf32, #tpu.memory_space<vmem>>[vector<16xi32>, vector<16xi32>], vector<16xf32>,
    %get3A_592 = arith.constant 208 : index
    %get3A_593 = tpu.vector_load %arg6[%get3A_592] {strides = array<i32>} : memref<256xi32, #tpu.memory_space<vmem>>, vector<16xi32>,
    %get3A_594 = arith.constant 208 : index
    %get3A_595 = tpu.vector_load %arg5[%get3A_594] {strides = array<i32>} : memref<256xf32, #tpu.memory_space<vmem>>, vector<16xf32>,
    %scatter3A_596 = arith.constant 1 : i32
    %scatter3A_597 = arith.constant 0 : i32
    %scatter3A_598 = arith.constant 0 : i32
    %scatter3A_599 = tpu.memref_slice %arg7[%scatter3A_596, %scatter3A_597, %scatter3A_598] : memref<4x2x2048xf32, #tpu.memory_space<vmem>> -> memref<1x2x2048xf32, #tpu.memory_space<vmem>>
    %scatter3A_600 = tpu.memref_squeeze %scatter3A_599 : memref<1x2x2048xf32, #tpu.memory_space<vmem>> -> memref<2x2048xf32, #tpu.memory_space<vmem>>
    tpu.vector_store_idx %scatter3A_600[%shift_right_arithmetic3A_14, %get3A_593], %get3A_595 : memref<2x2048xf32, #tpu.memory_space<vmem>>[vector<16xi32>, vector<16xi32>], vector<16xf32>,
    %add3A_601 = arith.constant 26 : i32
    %add3A_602 = arith.addi %mul3A_2, %add3A_601 : i32
    %dma_start3A_603 = arith.constant 1 : i32
    %dma_start3A_604 = arith.constant 1 : i32
    %dma_start3A_605 = arith.constant 0 : i32
    %dma_start3A_606 = arith.constant 0 : i32
    %dma_start3A_607 = tpu.memref_slice %arg7[%dma_start3A_603, %dma_start3A_605, %dma_start3A_606] : memref<4x2x2048xf32, #tpu.memory_space<vmem>> -> memref<1x2x2048xf32, #tpu.memory_space<vmem>>
    %dma_start3A_608 = tpu.memref_squeeze %dma_start3A_607 : memref<1x2x2048xf32, #tpu.memory_space<vmem>> -> memref<2x2048xf32, #tpu.memory_space<vmem>>
    %dma_start3A_609 = arith.constant 0 : i32
    %dma_start3A_610 = tpu.memref_slice %arg4[%add3A_602, %dma_start3A_609] : memref<1024x2048xf32, #tpu.memory_space<hbm>> -> memref<2x2048xf32, #tpu.memory_space<hbm>>
    %dma_start3A_611 = tpu.memref_slice %arg8[%dma_start3A_604] : memref<4x!tpu.dma_semaphore, #tpu.memory_space<semaphore_mem>> -> memref<1x!tpu.dma_semaphore, #tpu.memory_space<semaphore_mem>>
    %dma_start3A_612 = tpu.memref_squeeze %dma_start3A_611 : memref<1x!tpu.dma_semaphore, #tpu.memory_space<semaphore_mem>> -> memref<!tpu.dma_semaphore, #tpu.memory_space<semaphore_mem>>
    %dma_start3A_613 = arith.constant 0 : i32
    %dma_start3A_614 = tpu.memref_slice %arg4[%add3A_602, %dma_start3A_613] : memref<1024x2048xf32, #tpu.memory_space<hbm>> -> memref<2x2048xf32, #tpu.memory_space<hbm>>
    %dma_start3A_615 = arith.constant 0 : i32
    %dma_start3A_616 = arith.constant 0 : i32
    %dma_start3A_617 = tpu.memref_slice %arg7[%dma_start3A_603, %dma_start3A_615, %dma_start3A_616] : memref<4x2x2048xf32, #tpu.memory_space<vmem>> -> memref<1x2x2048xf32, #tpu.memory_space<vmem>>
    %dma_start3A_618 = tpu.memref_squeeze %dma_start3A_617 : memref<1x2x2048xf32, #tpu.memory_space<vmem>> -> memref<2x2048xf32, #tpu.memory_space<vmem>>
    tpu.enqueue_dma source(%dma_start3A_618 : memref<2x2048xf32, #tpu.memory_space<vmem>>) target(%dma_start3A_614 : memref<2x2048xf32, #tpu.memory_space<hbm>>) target_semaphore(%dma_start3A_612 : memref<!tpu.dma_semaphore, #tpu.memory_space<semaphore_mem>>)
    %dma_wait3A_619 = arith.constant 2 : i32
    %dma_wait3A_620 = arith.constant 2 : i32
    %dma_wait3A_621 = arith.constant 0 : i32
    %dma_wait3A_622 = arith.constant 0 : i32
    %dma_wait3A_623 = tpu.memref_slice %arg7[%dma_wait3A_619, %dma_wait3A_621, %dma_wait3A_622] : memref<4x2x2048xf32, #tpu.memory_space<vmem>> -> memref<1x2x2048xf32, #tpu.memory_space<vmem>>
    %dma_wait3A_624 = tpu.memref_squeeze %dma_wait3A_623 : memref<1x2x2048xf32, #tpu.memory_space<vmem>> -> memref<2x2048xf32, #tpu.memory_space<vmem>>
    %dma_wait3A_625 = arith.constant 0 : i32
    %dma_wait3A_626 = tpu.memref_slice %arg4[%add3A_452, %dma_wait3A_625] : memref<1024x2048xf32, #tpu.memory_space<hbm>> -> memref<2x2048xf32, #tpu.memory_space<hbm>>
    %dma_wait3A_627 = tpu.memref_slice %arg8[%dma_wait3A_620] : memref<4x!tpu.dma_semaphore, #tpu.memory_space<semaphore_mem>> -> memref<1x!tpu.dma_semaphore, #tpu.memory_space<semaphore_mem>>
    %dma_wait3A_628 = tpu.memref_squeeze %dma_wait3A_627 : memref<1x!tpu.dma_semaphore, #tpu.memory_space<semaphore_mem>> -> memref<!tpu.dma_semaphore, #tpu.memory_space<semaphore_mem>>
    %dma_wait3A_629 = arith.constant 0 : i32
    %dma_wait3A_630 = tpu.memref_slice %arg4[%add3A_452, %dma_wait3A_629] : memref<1024x2048xf32, #tpu.memory_space<hbm>> -> memref<2x2048xf32, #tpu.memory_space<hbm>>
    %dma_wait3A_631 = arith.constant 0 : i32
    %dma_wait3A_632 = arith.constant 0 : i32
    %dma_wait3A_633 = tpu.memref_slice %arg7[%dma_wait3A_619, %dma_wait3A_631, %dma_wait3A_632] : memref<4x2x2048xf32, #tpu.memory_space<vmem>> -> memref<1x2x2048xf32, #tpu.memory_space<vmem>>
    %dma_wait3A_634 = tpu.memref_squeeze %dma_wait3A_633 : memref<1x2x2048xf32, #tpu.memory_space<vmem>> -> memref<2x2048xf32, #tpu.memory_space<vmem>>
    tpu.wait_dma2 semaphore(%dma_wait3A_628 : memref<!tpu.dma_semaphore, #tpu.memory_space<semaphore_mem>>) src(%dma_wait3A_634 : memref<2x2048xf32, #tpu.memory_space<vmem>>) dst(%dma_wait3A_630 : memref<2x2048xf32, #tpu.memory_space<hbm>>)
    %get3A_635 = arith.constant 160 : index
    %get3A_636 = tpu.vector_load %arg6[%get3A_635] {strides = array<i32>} : memref<256xi32, #tpu.memory_space<vmem>>, vector<16xi32>,
    %scatter3A_637 = arith.constant 2 : i32
    %scatter3A_638 = arith.constant 0 : i32
    %scatter3A_639 = arith.constant 0 : i32
    %scatter3A_640 = tpu.memref_slice %arg7[%scatter3A_637, %scatter3A_638, %scatter3A_639] : memref<4x2x2048xf32, #tpu.memory_space<vmem>> -> memref<1x2x2048xf32, #tpu.memory_space<vmem>>
    %scatter3A_641 = tpu.memref_squeeze %scatter3A_640 : memref<1x2x2048xf32, #tpu.memory_space<vmem>> -> memref<2x2048xf32, #tpu.memory_space<vmem>>
    tpu.vector_store_idx %scatter3A_641[%shift_right_arithmetic3A_14, %get3A_636], %broadcast_in_dim3A_7 : memref<2x2048xf32, #tpu.memory_space<vmem>>[vector<16xi32>, vector<16xi32>], vector<16xf32>,
    %get3A_642 = arith.constant 224 : index
    %get3A_643 = tpu.vector_load %arg6[%get3A_642] {strides = array<i32>} : memref<256xi32, #tpu.memory_space<vmem>>, vector<16xi32>,
    %get3A_644 = arith.constant 224 : index
    %get3A_645 = tpu.vector_load %arg5[%get3A_644] {strides = array<i32>} : memref<256xf32, #tpu.memory_space<vmem>>, vector<16xf32>,
    %scatter3A_646 = arith.constant 2 : i32
    %scatter3A_647 = arith.constant 0 : i32
    %scatter3A_648 = arith.constant 0 : i32
    %scatter3A_649 = tpu.memref_slice %arg7[%scatter3A_646, %scatter3A_647, %scatter3A_648] : memref<4x2x2048xf32, #tpu.memory_space<vmem>> -> memref<1x2x2048xf32, #tpu.memory_space<vmem>>
    %scatter3A_650 = tpu.memref_squeeze %scatter3A_649 : memref<1x2x2048xf32, #tpu.memory_space<vmem>> -> memref<2x2048xf32, #tpu.memory_space<vmem>>
    tpu.vector_store_idx %scatter3A_650[%shift_right_arithmetic3A_14, %get3A_643], %get3A_645 : memref<2x2048xf32, #tpu.memory_space<vmem>>[vector<16xi32>, vector<16xi32>], vector<16xf32>,
    %add3A_651 = arith.constant 28 : i32
    %add3A_652 = arith.addi %mul3A_2, %add3A_651 : i32
    %dma_start3A_653 = arith.constant 2 : i32
    %dma_start3A_654 = arith.constant 2 : i32
    %dma_start3A_655 = arith.constant 0 : i32
    %dma_start3A_656 = arith.constant 0 : i32
    %dma_start3A_657 = tpu.memref_slice %arg7[%dma_start3A_653, %dma_start3A_655, %dma_start3A_656] : memref<4x2x2048xf32, #tpu.memory_space<vmem>> -> memref<1x2x2048xf32, #tpu.memory_space<vmem>>
    %dma_start3A_658 = tpu.memref_squeeze %dma_start3A_657 : memref<1x2x2048xf32, #tpu.memory_space<vmem>> -> memref<2x2048xf32, #tpu.memory_space<vmem>>
    %dma_start3A_659 = arith.constant 0 : i32
    %dma_start3A_660 = tpu.memref_slice %arg4[%add3A_652, %dma_start3A_659] : memref<1024x2048xf32, #tpu.memory_space<hbm>> -> memref<2x2048xf32, #tpu.memory_space<hbm>>
    %dma_start3A_661 = tpu.memref_slice %arg8[%dma_start3A_654] : memref<4x!tpu.dma_semaphore, #tpu.memory_space<semaphore_mem>> -> memref<1x!tpu.dma_semaphore, #tpu.memory_space<semaphore_mem>>
    %dma_start3A_662 = tpu.memref_squeeze %dma_start3A_661 : memref<1x!tpu.dma_semaphore, #tpu.memory_space<semaphore_mem>> -> memref<!tpu.dma_semaphore, #tpu.memory_space<semaphore_mem>>
    %dma_start3A_663 = arith.constant 0 : i32
    %dma_start3A_664 = tpu.memref_slice %arg4[%add3A_652, %dma_start3A_663] : memref<1024x2048xf32, #tpu.memory_space<hbm>> -> memref<2x2048xf32, #tpu.memory_space<hbm>>
    %dma_start3A_665 = arith.constant 0 : i32
    %dma_start3A_666 = arith.constant 0 : i32
    %dma_start3A_667 = tpu.memref_slice %arg7[%dma_start3A_653, %dma_start3A_665, %dma_start3A_666] : memref<4x2x2048xf32, #tpu.memory_space<vmem>> -> memref<1x2x2048xf32, #tpu.memory_space<vmem>>
    %dma_start3A_668 = tpu.memref_squeeze %dma_start3A_667 : memref<1x2x2048xf32, #tpu.memory_space<vmem>> -> memref<2x2048xf32, #tpu.memory_space<vmem>>
    tpu.enqueue_dma source(%dma_start3A_668 : memref<2x2048xf32, #tpu.memory_space<vmem>>) target(%dma_start3A_664 : memref<2x2048xf32, #tpu.memory_space<hbm>>) target_semaphore(%dma_start3A_662 : memref<!tpu.dma_semaphore, #tpu.memory_space<semaphore_mem>>)
    %dma_wait3A_669 = arith.constant 3 : i32
    %dma_wait3A_670 = arith.constant 3 : i32
    %dma_wait3A_671 = arith.constant 0 : i32
    %dma_wait3A_672 = arith.constant 0 : i32
    %dma_wait3A_673 = tpu.memref_slice %arg7[%dma_wait3A_669, %dma_wait3A_671, %dma_wait3A_672] : memref<4x2x2048xf32, #tpu.memory_space<vmem>> -> memref<1x2x2048xf32, #tpu.memory_space<vmem>>
    %dma_wait3A_674 = tpu.memref_squeeze %dma_wait3A_673 : memref<1x2x2048xf32, #tpu.memory_space<vmem>> -> memref<2x2048xf32, #tpu.memory_space<vmem>>
    %dma_wait3A_675 = arith.constant 0 : i32
    %dma_wait3A_676 = tpu.memref_slice %arg4[%add3A_502, %dma_wait3A_675] : memref<1024x2048xf32, #tpu.memory_space<hbm>> -> memref<2x2048xf32, #tpu.memory_space<hbm>>
    %dma_wait3A_677 = tpu.memref_slice %arg8[%dma_wait3A_670] : memref<4x!tpu.dma_semaphore, #tpu.memory_space<semaphore_mem>> -> memref<1x!tpu.dma_semaphore, #tpu.memory_space<semaphore_mem>>
    %dma_wait3A_678 = tpu.memref_squeeze %dma_wait3A_677 : memref<1x!tpu.dma_semaphore, #tpu.memory_space<semaphore_mem>> -> memref<!tpu.dma_semaphore, #tpu.memory_space<semaphore_mem>>
    %dma_wait3A_679 = arith.constant 0 : i32
    %dma_wait3A_680 = tpu.memref_slice %arg4[%add3A_502, %dma_wait3A_679] : memref<1024x2048xf32, #tpu.memory_space<hbm>> -> memref<2x2048xf32, #tpu.memory_space<hbm>>
    %dma_wait3A_681 = arith.constant 0 : i32
    %dma_wait3A_682 = arith.constant 0 : i32
    %dma_wait3A_683 = tpu.memref_slice %arg7[%dma_wait3A_669, %dma_wait3A_681, %dma_wait3A_682] : memref<4x2x2048xf32, #tpu.memory_space<vmem>> -> memref<1x2x2048xf32, #tpu.memory_space<vmem>>
    %dma_wait3A_684 = tpu.memref_squeeze %dma_wait3A_683 : memref<1x2x2048xf32, #tpu.memory_space<vmem>> -> memref<2x2048xf32, #tpu.memory_space<vmem>>
    tpu.wait_dma2 semaphore(%dma_wait3A_678 : memref<!tpu.dma_semaphore, #tpu.memory_space<semaphore_mem>>) src(%dma_wait3A_684 : memref<2x2048xf32, #tpu.memory_space<vmem>>) dst(%dma_wait3A_680 : memref<2x2048xf32, #tpu.memory_space<hbm>>)
    %get3A_685 = arith.constant 176 : index
    %get3A_686 = tpu.vector_load %arg6[%get3A_685] {strides = array<i32>} : memref<256xi32, #tpu.memory_space<vmem>>, vector<16xi32>,
    %scatter3A_687 = arith.constant 3 : i32
    %scatter3A_688 = arith.constant 0 : i32
    %scatter3A_689 = arith.constant 0 : i32
    %scatter3A_690 = tpu.memref_slice %arg7[%scatter3A_687, %scatter3A_688, %scatter3A_689] : memref<4x2x2048xf32, #tpu.memory_space<vmem>> -> memref<1x2x2048xf32, #tpu.memory_space<vmem>>
    %scatter3A_691 = tpu.memref_squeeze %scatter3A_690 : memref<1x2x2048xf32, #tpu.memory_space<vmem>> -> memref<2x2048xf32, #tpu.memory_space<vmem>>
    tpu.vector_store_idx %scatter3A_691[%shift_right_arithmetic3A_14, %get3A_686], %broadcast_in_dim3A_7 : memref<2x2048xf32, #tpu.memory_space<vmem>>[vector<16xi32>, vector<16xi32>], vector<16xf32>,
    %get3A_692 = arith.constant 240 : index
    %get3A_693 = tpu.vector_load %arg6[%get3A_692] {strides = array<i32>} : memref<256xi32, #tpu.memory_space<vmem>>, vector<16xi32>,
    %get3A_694 = arith.constant 240 : index
    %get3A_695 = tpu.vector_load %arg5[%get3A_694] {strides = array<i32>} : memref<256xf32, #tpu.memory_space<vmem>>, vector<16xf32>,
    %scatter3A_696 = arith.constant 3 : i32
    %scatter3A_697 = arith.constant 0 : i32
    %scatter3A_698 = arith.constant 0 : i32
    %scatter3A_699 = tpu.memref_slice %arg7[%scatter3A_696, %scatter3A_697, %scatter3A_698] : memref<4x2x2048xf32, #tpu.memory_space<vmem>> -> memref<1x2x2048xf32, #tpu.memory_space<vmem>>
    %scatter3A_700 = tpu.memref_squeeze %scatter3A_699 : memref<1x2x2048xf32, #tpu.memory_space<vmem>> -> memref<2x2048xf32, #tpu.memory_space<vmem>>
    tpu.vector_store_idx %scatter3A_700[%shift_right_arithmetic3A_14, %get3A_693], %get3A_695 : memref<2x2048xf32, #tpu.memory_space<vmem>>[vector<16xi32>, vector<16xi32>], vector<16xf32>,
    %add3A_701 = arith.constant 30 : i32
    %add3A_702 = arith.addi %mul3A_2, %add3A_701 : i32
    %dma_start3A_703 = arith.constant 3 : i32
    %dma_start3A_704 = arith.constant 3 : i32
    %dma_start3A_705 = arith.constant 0 : i32
    %dma_start3A_706 = arith.constant 0 : i32
    %dma_start3A_707 = tpu.memref_slice %arg7[%dma_start3A_703, %dma_start3A_705, %dma_start3A_706] : memref<4x2x2048xf32, #tpu.memory_space<vmem>> -> memref<1x2x2048xf32, #tpu.memory_space<vmem>>
    %dma_start3A_708 = tpu.memref_squeeze %dma_start3A_707 : memref<1x2x2048xf32, #tpu.memory_space<vmem>> -> memref<2x2048xf32, #tpu.memory_space<vmem>>
    %dma_start3A_709 = arith.constant 0 : i32
    %dma_start3A_710 = tpu.memref_slice %arg4[%add3A_702, %dma_start3A_709] : memref<1024x2048xf32, #tpu.memory_space<hbm>> -> memref<2x2048xf32, #tpu.memory_space<hbm>>
    %dma_start3A_711 = tpu.memref_slice %arg8[%dma_start3A_704] : memref<4x!tpu.dma_semaphore, #tpu.memory_space<semaphore_mem>> -> memref<1x!tpu.dma_semaphore, #tpu.memory_space<semaphore_mem>>
    %dma_start3A_712 = tpu.memref_squeeze %dma_start3A_711 : memref<1x!tpu.dma_semaphore, #tpu.memory_space<semaphore_mem>> -> memref<!tpu.dma_semaphore, #tpu.memory_space<semaphore_mem>>
    %dma_start3A_713 = arith.constant 0 : i32
    %dma_start3A_714 = tpu.memref_slice %arg4[%add3A_702, %dma_start3A_713] : memref<1024x2048xf32, #tpu.memory_space<hbm>> -> memref<2x2048xf32, #tpu.memory_space<hbm>>
    %dma_start3A_715 = arith.constant 0 : i32
    %dma_start3A_716 = arith.constant 0 : i32
    %dma_start3A_717 = tpu.memref_slice %arg7[%dma_start3A_703, %dma_start3A_715, %dma_start3A_716] : memref<4x2x2048xf32, #tpu.memory_space<vmem>> -> memref<1x2x2048xf32, #tpu.memory_space<vmem>>
    %dma_start3A_718 = tpu.memref_squeeze %dma_start3A_717 : memref<1x2x2048xf32, #tpu.memory_space<vmem>> -> memref<2x2048xf32, #tpu.memory_space<vmem>>
    tpu.enqueue_dma source(%dma_start3A_718 : memref<2x2048xf32, #tpu.memory_space<vmem>>) target(%dma_start3A_714 : memref<2x2048xf32, #tpu.memory_space<hbm>>) target_semaphore(%dma_start3A_712 : memref<!tpu.dma_semaphore, #tpu.memory_space<semaphore_mem>>)
    %dma_wait3A_719 = arith.constant 0 : i32
    %dma_wait3A_720 = arith.constant 0 : i32
    %dma_wait3A_721 = arith.constant 0 : i32
    %dma_wait3A_722 = arith.constant 0 : i32
    %dma_wait3A_723 = tpu.memref_slice %arg7[%dma_wait3A_719, %dma_wait3A_721, %dma_wait3A_722] : memref<4x2x2048xf32, #tpu.memory_space<vmem>> -> memref<1x2x2048xf32, #tpu.memory_space<vmem>>
    %dma_wait3A_724 = tpu.memref_squeeze %dma_wait3A_723 : memref<1x2x2048xf32, #tpu.memory_space<vmem>> -> memref<2x2048xf32, #tpu.memory_space<vmem>>
    %dma_wait3A_725 = arith.constant 0 : i32
    %dma_wait3A_726 = tpu.memref_slice %arg4[%add3A_552, %dma_wait3A_725] : memref<1024x2048xf32, #tpu.memory_space<hbm>> -> memref<2x2048xf32, #tpu.memory_space<hbm>>
    %dma_wait3A_727 = tpu.memref_slice %arg8[%dma_wait3A_720] : memref<4x!tpu.dma_semaphore, #tpu.memory_space<semaphore_mem>> -> memref<1x!tpu.dma_semaphore, #tpu.memory_space<semaphore_mem>>
    %dma_wait3A_728 = tpu.memref_squeeze %dma_wait3A_727 : memref<1x!tpu.dma_semaphore, #tpu.memory_space<semaphore_mem>> -> memref<!tpu.dma_semaphore, #tpu.memory_space<semaphore_mem>>
    %dma_wait3A_729 = arith.constant 0 : i32
    %dma_wait3A_730 = tpu.memref_slice %arg4[%add3A_552, %dma_wait3A_729] : memref<1024x2048xf32, #tpu.memory_space<hbm>> -> memref<2x2048xf32, #tpu.memory_space<hbm>>
    %dma_wait3A_731 = arith.constant 0 : i32
    %dma_wait3A_732 = arith.constant 0 : i32
    %dma_wait3A_733 = tpu.memref_slice %arg7[%dma_wait3A_719, %dma_wait3A_731, %dma_wait3A_732] : memref<4x2x2048xf32, #tpu.memory_space<vmem>> -> memref<1x2x2048xf32, #tpu.memory_space<vmem>>
    %dma_wait3A_734 = tpu.memref_squeeze %dma_wait3A_733 : memref<1x2x2048xf32, #tpu.memory_space<vmem>> -> memref<2x2048xf32, #tpu.memory_space<vmem>>
    tpu.wait_dma2 semaphore(%dma_wait3A_728 : memref<!tpu.dma_semaphore, #tpu.memory_space<semaphore_mem>>) src(%dma_wait3A_734 : memref<2x2048xf32, #tpu.memory_space<vmem>>) dst(%dma_wait3A_730 : memref<2x2048xf32, #tpu.memory_space<hbm>>)
    %dma_wait3A_735 = arith.constant 1 : i32
    %dma_wait3A_736 = arith.constant 1 : i32
    %dma_wait3A_737 = arith.constant 0 : i32
    %dma_wait3A_738 = arith.constant 0 : i32
    %dma_wait3A_739 = tpu.memref_slice %arg7[%dma_wait3A_735, %dma_wait3A_737, %dma_wait3A_738] : memref<4x2x2048xf32, #tpu.memory_space<vmem>> -> memref<1x2x2048xf32, #tpu.memory_space<vmem>>
    %dma_wait3A_740 = tpu.memref_squeeze %dma_wait3A_739 : memref<1x2x2048xf32, #tpu.memory_space<vmem>> -> memref<2x2048xf32, #tpu.memory_space<vmem>>
    %dma_wait3A_741 = arith.constant 0 : i32
    %dma_wait3A_742 = tpu.memref_slice %arg4[%add3A_602, %dma_wait3A_741] : memref<1024x2048xf32, #tpu.memory_space<hbm>> -> memref<2x2048xf32, #tpu.memory_space<hbm>>
    %dma_wait3A_743 = tpu.memref_slice %arg8[%dma_wait3A_736] : memref<4x!tpu.dma_semaphore, #tpu.memory_space<semaphore_mem>> -> memref<1x!tpu.dma_semaphore, #tpu.memory_space<semaphore_mem>>
    %dma_wait3A_744 = tpu.memref_squeeze %dma_wait3A_743 : memref<1x!tpu.dma_semaphore, #tpu.memory_space<semaphore_mem>> -> memref<!tpu.dma_semaphore, #tpu.memory_space<semaphore_mem>>
    %dma_wait3A_745 = arith.constant 0 : i32
    %dma_wait3A_746 = tpu.memref_slice %arg4[%add3A_602, %dma_wait3A_745] : memref<1024x2048xf32, #tpu.memory_space<hbm>> -> memref<2x2048xf32, #tpu.memory_space<hbm>>
    %dma_wait3A_747 = arith.constant 0 : i32
    %dma_wait3A_748 = arith.constant 0 : i32
    %dma_wait3A_749 = tpu.memref_slice %arg7[%dma_wait3A_735, %dma_wait3A_747, %dma_wait3A_748] : memref<4x2x2048xf32, #tpu.memory_space<vmem>> -> memref<1x2x2048xf32, #tpu.memory_space<vmem>>
    %dma_wait3A_750 = tpu.memref_squeeze %dma_wait3A_749 : memref<1x2x2048xf32, #tpu.memory_space<vmem>> -> memref<2x2048xf32, #tpu.memory_space<vmem>>
    tpu.wait_dma2 semaphore(%dma_wait3A_744 : memref<!tpu.dma_semaphore, #tpu.memory_space<semaphore_mem>>) src(%dma_wait3A_750 : memref<2x2048xf32, #tpu.memory_space<vmem>>) dst(%dma_wait3A_746 : memref<2x2048xf32, #tpu.memory_space<hbm>>)
    %dma_wait3A_751 = arith.constant 2 : i32
    %dma_wait3A_752 = arith.constant 2 : i32
    %dma_wait3A_753 = arith.constant 0 : i32
    %dma_wait3A_754 = arith.constant 0 : i32
    %dma_wait3A_755 = tpu.memref_slice %arg7[%dma_wait3A_751, %dma_wait3A_753, %dma_wait3A_754] : memref<4x2x2048xf32, #tpu.memory_space<vmem>> -> memref<1x2x2048xf32, #tpu.memory_space<vmem>>
    %dma_wait3A_756 = tpu.memref_squeeze %dma_wait3A_755 : memref<1x2x2048xf32, #tpu.memory_space<vmem>> -> memref<2x2048xf32, #tpu.memory_space<vmem>>
    %dma_wait3A_757 = arith.constant 0 : i32
    %dma_wait3A_758 = tpu.memref_slice %arg4[%add3A_652, %dma_wait3A_757] : memref<1024x2048xf32, #tpu.memory_space<hbm>> -> memref<2x2048xf32, #tpu.memory_space<hbm>>
    %dma_wait3A_759 = tpu.memref_slice %arg8[%dma_wait3A_752] : memref<4x!tpu.dma_semaphore, #tpu.memory_space<semaphore_mem>> -> memref<1x!tpu.dma_semaphore, #tpu.memory_space<semaphore_mem>>
    %dma_wait3A_760 = tpu.memref_squeeze %dma_wait3A_759 : memref<1x!tpu.dma_semaphore, #tpu.memory_space<semaphore_mem>> -> memref<!tpu.dma_semaphore, #tpu.memory_space<semaphore_mem>>
    %dma_wait3A_761 = arith.constant 0 : i32
    %dma_wait3A_762 = tpu.memref_slice %arg4[%add3A_652, %dma_wait3A_761] : memref<1024x2048xf32, #tpu.memory_space<hbm>> -> memref<2x2048xf32, #tpu.memory_space<hbm>>
    %dma_wait3A_763 = arith.constant 0 : i32
    %dma_wait3A_764 = arith.constant 0 : i32
    %dma_wait3A_765 = tpu.memref_slice %arg7[%dma_wait3A_751, %dma_wait3A_763, %dma_wait3A_764] : memref<4x2x2048xf32, #tpu.memory_space<vmem>> -> memref<1x2x2048xf32, #tpu.memory_space<vmem>>
    %dma_wait3A_766 = tpu.memref_squeeze %dma_wait3A_765 : memref<1x2x2048xf32, #tpu.memory_space<vmem>> -> memref<2x2048xf32, #tpu.memory_space<vmem>>
    tpu.wait_dma2 semaphore(%dma_wait3A_760 : memref<!tpu.dma_semaphore, #tpu.memory_space<semaphore_mem>>) src(%dma_wait3A_766 : memref<2x2048xf32, #tpu.memory_space<vmem>>) dst(%dma_wait3A_762 : memref<2x2048xf32, #tpu.memory_space<hbm>>)
    %dma_wait3A_767 = arith.constant 3 : i32
    %dma_wait3A_768 = arith.constant 3 : i32
    %dma_wait3A_769 = arith.constant 0 : i32
    %dma_wait3A_770 = arith.constant 0 : i32
    %dma_wait3A_771 = tpu.memref_slice %arg7[%dma_wait3A_767, %dma_wait3A_769, %dma_wait3A_770] : memref<4x2x2048xf32, #tpu.memory_space<vmem>> -> memref<1x2x2048xf32, #tpu.memory_space<vmem>>
    %dma_wait3A_772 = tpu.memref_squeeze %dma_wait3A_771 : memref<1x2x2048xf32, #tpu.memory_space<vmem>> -> memref<2x2048xf32, #tpu.memory_space<vmem>>
    %dma_wait3A_773 = arith.constant 0 : i32
    %dma_wait3A_774 = tpu.memref_slice %arg4[%add3A_702, %dma_wait3A_773] : memref<1024x2048xf32, #tpu.memory_space<hbm>> -> memref<2x2048xf32, #tpu.memory_space<hbm>>
    %dma_wait3A_775 = tpu.memref_slice %arg8[%dma_wait3A_768] : memref<4x!tpu.dma_semaphore, #tpu.memory_space<semaphore_mem>> -> memref<1x!tpu.dma_semaphore, #tpu.memory_space<semaphore_mem>>
    %dma_wait3A_776 = tpu.memref_squeeze %dma_wait3A_775 : memref<1x!tpu.dma_semaphore, #tpu.memory_space<semaphore_mem>> -> memref<!tpu.dma_semaphore, #tpu.memory_space<semaphore_mem>>
    %dma_wait3A_777 = arith.constant 0 : i32
    %dma_wait3A_778 = tpu.memref_slice %arg4[%add3A_702, %dma_wait3A_777] : memref<1024x2048xf32, #tpu.memory_space<hbm>> -> memref<2x2048xf32, #tpu.memory_space<hbm>>
    %dma_wait3A_779 = arith.constant 0 : i32
    %dma_wait3A_780 = arith.constant 0 : i32
    %dma_wait3A_781 = tpu.memref_slice %arg7[%dma_wait3A_767, %dma_wait3A_779, %dma_wait3A_780] : memref<4x2x2048xf32, #tpu.memory_space<vmem>> -> memref<1x2x2048xf32, #tpu.memory_space<vmem>>
    %dma_wait3A_782 = tpu.memref_squeeze %dma_wait3A_781 : memref<1x2x2048xf32, #tpu.memory_space<vmem>> -> memref<2x2048xf32, #tpu.memory_space<vmem>>
    tpu.wait_dma2 semaphore(%dma_wait3A_776 : memref<!tpu.dma_semaphore, #tpu.memory_space<semaphore_mem>>) src(%dma_wait3A_782 : memref<2x2048xf32, #tpu.memory_space<vmem>>) dst(%dma_wait3A_778 : memref<2x2048xf32, #tpu.memory_space<hbm>>)
    return
  }
}

module attributes {stable_mosaic.version = 14 : i64} {
  func.func @_topk_body(%arg0: i32, %arg1: memref<256x2048xf32, #tpu.memory_space<vmem>>, %arg2: memref<256x8xf32, #tpu.memory_space<vmem>>, %arg3: memref<256x8xi32, #tpu.memory_space<vmem>>) attributes {dimension_semantics = [#tpu.dimension_semantics<arbitrary>], iteration_bounds = array<i64: 4>, scalar_prefetch = 0 : i64, scratch_operands = 0 : i64, tpu.core_type = #tpu.core_type<tc>, window_params = [{transform_indices = @transform_0, window_bounds = array<i64: 256, 2048>}, {transform_indices = @transform_1, window_bounds = array<i64: 256, 8>}, {transform_indices = @transform_2, window_bounds = array<i64: 256, 8>}]} {
    %iota3A = tpu.iota {dimensions = array<i32: 1>} : vector<256x2048xi32>
    %convert_element_type3A = arith.sitofp %iota3A : vector<256x2048xi32> to vector<256x2048xf32>
    %get3A = arith.constant 0 : index
    %get3A_0 = arith.constant 0 : index
    %get3A_1 = vector.load %arg1[%get3A, %get3A_0] : memref<256x2048xf32, #tpu.memory_space<vmem>>, vector<256x2048xf32>
    %reduce_max3A = arith.constant dense<0xFF800000> : vector<256xf32>
    %reduce_max3A_2 = vector.multi_reduction <maximumf>, %get3A_1, %reduce_max3A [1] : vector<256x2048xf32> to vector<256xf32>
    %broadcast_in_dim3A = vector.shape_cast %reduce_max3A_2 : vector<256xf32> to vector<256x1xf32>
    %eq3A = vector.broadcast %broadcast_in_dim3A : vector<256x1xf32> to vector<256x2048xf32>
    %eq3A_3 = arith.cmpf oeq, %get3A_1, %eq3A : vector<256x2048xf32>
    %jit3A = arith.constant 1.000000e+09 : f32
    %broadcast_in_dim3A_4 = vector.broadcast %jit3A : f32 to vector<256x2048xf32>
    %select_n3A = arith.select %eq3A_3, %convert_element_type3A, %broadcast_in_dim3A_4 : vector<256x2048xi1>, vector<256x2048xf32>
    %reduce_min3A = arith.constant dense<0x7F800000> : vector<256xf32>
    %reduce_min3A_5 = vector.multi_reduction <minimumf>, %select_n3A, %reduce_min3A [1] : vector<256x2048xf32> to vector<256xf32>
    %broadcast_in_dim3A_6 = vector.shape_cast %reduce_min3A_5 : vector<256xf32> to vector<256x1xf32>
    %eq3A_7 = vector.broadcast %broadcast_in_dim3A_6 : vector<256x1xf32> to vector<256x2048xf32>
    %eq3A_8 = arith.cmpf oeq, %convert_element_type3A, %eq3A_7 : vector<256x2048xf32>
    %jit3A_9 = arith.constant 0xFF800000 : f32
    %broadcast_in_dim3A_10 = vector.broadcast %jit3A_9 : f32 to vector<256x2048xf32>
    %select_n3A_11 = arith.select %eq3A_8, %broadcast_in_dim3A_10, %get3A_1 : vector<256x2048xi1>, vector<256x2048xf32>
    %reduce_max3A_12 = arith.constant dense<0xFF800000> : vector<256xf32>
    %reduce_max3A_13 = vector.multi_reduction <maximumf>, %select_n3A_11, %reduce_max3A_12 [1] : vector<256x2048xf32> to vector<256xf32>
    %broadcast_in_dim3A_14 = vector.shape_cast %reduce_max3A_13 : vector<256xf32> to vector<256x1xf32>
    %eq3A_15 = vector.broadcast %broadcast_in_dim3A_14 : vector<256x1xf32> to vector<256x2048xf32>
    %eq3A_16 = arith.cmpf oeq, %select_n3A_11, %eq3A_15 : vector<256x2048xf32>
    %jit3A_17 = arith.constant 1.000000e+09 : f32
    %broadcast_in_dim3A_18 = vector.broadcast %jit3A_17 : f32 to vector<256x2048xf32>
    %select_n3A_19 = arith.select %eq3A_16, %convert_element_type3A, %broadcast_in_dim3A_18 : vector<256x2048xi1>, vector<256x2048xf32>
    %reduce_min3A_20 = arith.constant dense<0x7F800000> : vector<256xf32>
    %reduce_min3A_21 = vector.multi_reduction <minimumf>, %select_n3A_19, %reduce_min3A_20 [1] : vector<256x2048xf32> to vector<256xf32>
    %broadcast_in_dim3A_22 = vector.shape_cast %reduce_min3A_21 : vector<256xf32> to vector<256x1xf32>
    %eq3A_23 = vector.broadcast %broadcast_in_dim3A_22 : vector<256x1xf32> to vector<256x2048xf32>
    %eq3A_24 = arith.cmpf oeq, %convert_element_type3A, %eq3A_23 : vector<256x2048xf32>
    %jit3A_25 = arith.constant 0xFF800000 : f32
    %broadcast_in_dim3A_26 = vector.broadcast %jit3A_25 : f32 to vector<256x2048xf32>
    %select_n3A_27 = arith.select %eq3A_24, %broadcast_in_dim3A_26, %select_n3A_11 : vector<256x2048xi1>, vector<256x2048xf32>
    %reduce_max3A_28 = arith.constant dense<0xFF800000> : vector<256xf32>
    %reduce_max3A_29 = vector.multi_reduction <maximumf>, %select_n3A_27, %reduce_max3A_28 [1] : vector<256x2048xf32> to vector<256xf32>
    %broadcast_in_dim3A_30 = vector.shape_cast %reduce_max3A_29 : vector<256xf32> to vector<256x1xf32>
    %eq3A_31 = vector.broadcast %broadcast_in_dim3A_30 : vector<256x1xf32> to vector<256x2048xf32>
    %eq3A_32 = arith.cmpf oeq, %select_n3A_27, %eq3A_31 : vector<256x2048xf32>
    %jit3A_33 = arith.constant 1.000000e+09 : f32
    %broadcast_in_dim3A_34 = vector.broadcast %jit3A_33 : f32 to vector<256x2048xf32>
    %select_n3A_35 = arith.select %eq3A_32, %convert_element_type3A, %broadcast_in_dim3A_34 : vector<256x2048xi1>, vector<256x2048xf32>
    %reduce_min3A_36 = arith.constant dense<0x7F800000> : vector<256xf32>
    %reduce_min3A_37 = vector.multi_reduction <minimumf>, %select_n3A_35, %reduce_min3A_36 [1] : vector<256x2048xf32> to vector<256xf32>
    %broadcast_in_dim3A_38 = vector.shape_cast %reduce_min3A_37 : vector<256xf32> to vector<256x1xf32>
    %eq3A_39 = vector.broadcast %broadcast_in_dim3A_38 : vector<256x1xf32> to vector<256x2048xf32>
    %eq3A_40 = arith.cmpf oeq, %convert_element_type3A, %eq3A_39 : vector<256x2048xf32>
    %jit3A_41 = arith.constant 0xFF800000 : f32
    %broadcast_in_dim3A_42 = vector.broadcast %jit3A_41 : f32 to vector<256x2048xf32>
    %select_n3A_43 = arith.select %eq3A_40, %broadcast_in_dim3A_42, %select_n3A_27 : vector<256x2048xi1>, vector<256x2048xf32>
    %reduce_max3A_44 = arith.constant dense<0xFF800000> : vector<256xf32>
    %reduce_max3A_45 = vector.multi_reduction <maximumf>, %select_n3A_43, %reduce_max3A_44 [1] : vector<256x2048xf32> to vector<256xf32>
    %broadcast_in_dim3A_46 = vector.shape_cast %reduce_max3A_45 : vector<256xf32> to vector<256x1xf32>
    %eq3A_47 = vector.broadcast %broadcast_in_dim3A_46 : vector<256x1xf32> to vector<256x2048xf32>
    %eq3A_48 = arith.cmpf oeq, %select_n3A_43, %eq3A_47 : vector<256x2048xf32>
    %jit3A_49 = arith.constant 1.000000e+09 : f32
    %broadcast_in_dim3A_50 = vector.broadcast %jit3A_49 : f32 to vector<256x2048xf32>
    %select_n3A_51 = arith.select %eq3A_48, %convert_element_type3A, %broadcast_in_dim3A_50 : vector<256x2048xi1>, vector<256x2048xf32>
    %reduce_min3A_52 = arith.constant dense<0x7F800000> : vector<256xf32>
    %reduce_min3A_53 = vector.multi_reduction <minimumf>, %select_n3A_51, %reduce_min3A_52 [1] : vector<256x2048xf32> to vector<256xf32>
    %broadcast_in_dim3A_54 = vector.shape_cast %reduce_min3A_53 : vector<256xf32> to vector<256x1xf32>
    %eq3A_55 = vector.broadcast %broadcast_in_dim3A_54 : vector<256x1xf32> to vector<256x2048xf32>
    %eq3A_56 = arith.cmpf oeq, %convert_element_type3A, %eq3A_55 : vector<256x2048xf32>
    %jit3A_57 = arith.constant 0xFF800000 : f32
    %broadcast_in_dim3A_58 = vector.broadcast %jit3A_57 : f32 to vector<256x2048xf32>
    %select_n3A_59 = arith.select %eq3A_56, %broadcast_in_dim3A_58, %select_n3A_43 : vector<256x2048xi1>, vector<256x2048xf32>
    %reduce_max3A_60 = arith.constant dense<0xFF800000> : vector<256xf32>
    %reduce_max3A_61 = vector.multi_reduction <maximumf>, %select_n3A_59, %reduce_max3A_60 [1] : vector<256x2048xf32> to vector<256xf32>
    %broadcast_in_dim3A_62 = vector.shape_cast %reduce_max3A_61 : vector<256xf32> to vector<256x1xf32>
    %eq3A_63 = vector.broadcast %broadcast_in_dim3A_62 : vector<256x1xf32> to vector<256x2048xf32>
    %eq3A_64 = arith.cmpf oeq, %select_n3A_59, %eq3A_63 : vector<256x2048xf32>
    %jit3A_65 = arith.constant 1.000000e+09 : f32
    %broadcast_in_dim3A_66 = vector.broadcast %jit3A_65 : f32 to vector<256x2048xf32>
    %select_n3A_67 = arith.select %eq3A_64, %convert_element_type3A, %broadcast_in_dim3A_66 : vector<256x2048xi1>, vector<256x2048xf32>
    %reduce_min3A_68 = arith.constant dense<0x7F800000> : vector<256xf32>
    %reduce_min3A_69 = vector.multi_reduction <minimumf>, %select_n3A_67, %reduce_min3A_68 [1] : vector<256x2048xf32> to vector<256xf32>
    %broadcast_in_dim3A_70 = vector.shape_cast %reduce_min3A_69 : vector<256xf32> to vector<256x1xf32>
    %eq3A_71 = vector.broadcast %broadcast_in_dim3A_70 : vector<256x1xf32> to vector<256x2048xf32>
    %eq3A_72 = arith.cmpf oeq, %convert_element_type3A, %eq3A_71 : vector<256x2048xf32>
    %jit3A_73 = arith.constant 0xFF800000 : f32
    %broadcast_in_dim3A_74 = vector.broadcast %jit3A_73 : f32 to vector<256x2048xf32>
    %select_n3A_75 = arith.select %eq3A_72, %broadcast_in_dim3A_74, %select_n3A_59 : vector<256x2048xi1>, vector<256x2048xf32>
    %reduce_max3A_76 = arith.constant dense<0xFF800000> : vector<256xf32>
    %reduce_max3A_77 = vector.multi_reduction <maximumf>, %select_n3A_75, %reduce_max3A_76 [1] : vector<256x2048xf32> to vector<256xf32>
    %broadcast_in_dim3A_78 = vector.shape_cast %reduce_max3A_77 : vector<256xf32> to vector<256x1xf32>
    %eq3A_79 = vector.broadcast %broadcast_in_dim3A_78 : vector<256x1xf32> to vector<256x2048xf32>
    %eq3A_80 = arith.cmpf oeq, %select_n3A_75, %eq3A_79 : vector<256x2048xf32>
    %jit3A_81 = arith.constant 1.000000e+09 : f32
    %broadcast_in_dim3A_82 = vector.broadcast %jit3A_81 : f32 to vector<256x2048xf32>
    %select_n3A_83 = arith.select %eq3A_80, %convert_element_type3A, %broadcast_in_dim3A_82 : vector<256x2048xi1>, vector<256x2048xf32>
    %reduce_min3A_84 = arith.constant dense<0x7F800000> : vector<256xf32>
    %reduce_min3A_85 = vector.multi_reduction <minimumf>, %select_n3A_83, %reduce_min3A_84 [1] : vector<256x2048xf32> to vector<256xf32>
    %broadcast_in_dim3A_86 = vector.shape_cast %reduce_min3A_85 : vector<256xf32> to vector<256x1xf32>
    %eq3A_87 = vector.broadcast %broadcast_in_dim3A_86 : vector<256x1xf32> to vector<256x2048xf32>
    %eq3A_88 = arith.cmpf oeq, %convert_element_type3A, %eq3A_87 : vector<256x2048xf32>
    %jit3A_89 = arith.constant 0xFF800000 : f32
    %broadcast_in_dim3A_90 = vector.broadcast %jit3A_89 : f32 to vector<256x2048xf32>
    %select_n3A_91 = arith.select %eq3A_88, %broadcast_in_dim3A_90, %select_n3A_75 : vector<256x2048xi1>, vector<256x2048xf32>
    %reduce_max3A_92 = arith.constant dense<0xFF800000> : vector<256xf32>
    %reduce_max3A_93 = vector.multi_reduction <maximumf>, %select_n3A_91, %reduce_max3A_92 [1] : vector<256x2048xf32> to vector<256xf32>
    %broadcast_in_dim3A_94 = vector.shape_cast %reduce_max3A_93 : vector<256xf32> to vector<256x1xf32>
    %eq3A_95 = vector.broadcast %broadcast_in_dim3A_94 : vector<256x1xf32> to vector<256x2048xf32>
    %eq3A_96 = arith.cmpf oeq, %select_n3A_91, %eq3A_95 : vector<256x2048xf32>
    %jit3A_97 = arith.constant 1.000000e+09 : f32
    %broadcast_in_dim3A_98 = vector.broadcast %jit3A_97 : f32 to vector<256x2048xf32>
    %select_n3A_99 = arith.select %eq3A_96, %convert_element_type3A, %broadcast_in_dim3A_98 : vector<256x2048xi1>, vector<256x2048xf32>
    %reduce_min3A_100 = arith.constant dense<0x7F800000> : vector<256xf32>
    %reduce_min3A_101 = vector.multi_reduction <minimumf>, %select_n3A_99, %reduce_min3A_100 [1] : vector<256x2048xf32> to vector<256xf32>
    %broadcast_in_dim3A_102 = vector.shape_cast %reduce_min3A_101 : vector<256xf32> to vector<256x1xf32>
    %eq3A_103 = vector.broadcast %broadcast_in_dim3A_102 : vector<256x1xf32> to vector<256x2048xf32>
    %eq3A_104 = arith.cmpf oeq, %convert_element_type3A, %eq3A_103 : vector<256x2048xf32>
    %jit3A_105 = arith.constant 0xFF800000 : f32
    %broadcast_in_dim3A_106 = vector.broadcast %jit3A_105 : f32 to vector<256x2048xf32>
    %select_n3A_107 = arith.select %eq3A_104, %broadcast_in_dim3A_106, %select_n3A_91 : vector<256x2048xi1>, vector<256x2048xf32>
    %reduce_max3A_108 = arith.constant dense<0xFF800000> : vector<256xf32>
    %reduce_max3A_109 = vector.multi_reduction <maximumf>, %select_n3A_107, %reduce_max3A_108 [1] : vector<256x2048xf32> to vector<256xf32>
    %broadcast_in_dim3A_110 = vector.shape_cast %reduce_max3A_109 : vector<256xf32> to vector<256x1xf32>
    %eq3A_111 = vector.broadcast %broadcast_in_dim3A_110 : vector<256x1xf32> to vector<256x2048xf32>
    %eq3A_112 = arith.cmpf oeq, %select_n3A_107, %eq3A_111 : vector<256x2048xf32>
    %jit3A_113 = arith.constant 1.000000e+09 : f32
    %broadcast_in_dim3A_114 = vector.broadcast %jit3A_113 : f32 to vector<256x2048xf32>
    %select_n3A_115 = arith.select %eq3A_112, %convert_element_type3A, %broadcast_in_dim3A_114 : vector<256x2048xi1>, vector<256x2048xf32>
    %reduce_min3A_116 = arith.constant dense<0x7F800000> : vector<256xf32>
    %reduce_min3A_117 = vector.multi_reduction <minimumf>, %select_n3A_115, %reduce_min3A_116 [1] : vector<256x2048xf32> to vector<256xf32>
    %broadcast_in_dim3A_118 = vector.shape_cast %reduce_min3A_117 : vector<256xf32> to vector<256x1xf32>
    %concatenate3A = tpu.concatenate %broadcast_in_dim3A, %broadcast_in_dim3A_14, %broadcast_in_dim3A_30, %broadcast_in_dim3A_46, %broadcast_in_dim3A_62, %broadcast_in_dim3A_78, %broadcast_in_dim3A_94, %broadcast_in_dim3A_110 in 1 : vector<256x1xf32>, vector<256x1xf32>, vector<256x1xf32>, vector<256x1xf32>, vector<256x1xf32>, vector<256x1xf32>, vector<256x1xf32>, vector<256x1xf32> -> vector<256x8xf32>
    %slice3A = vector.extract_strided_slice %concatenate3A {offsets = [0, 0], sizes = [256, 1], strides = [1, 1]} : vector<256x8xf32> to vector<256x1xf32>
    %sub3A = vector.broadcast %slice3A : vector<256x1xf32> to vector<256x8xf32>
    %sub3A_119 = arith.subf %concatenate3A, %sub3A : vector<256x8xf32>
    %mul3A = arith.constant 0.0220970865 : f32
    %mul3A_120 = vector.broadcast %mul3A : f32 to vector<256x8xf32>
    %mul3A_121 = arith.mulf %sub3A_119, %mul3A_120 : vector<256x8xf32>
    %exp3A = math.exp %mul3A_121 : vector<256x8xf32>
    %reduce_sum3A = arith.constant dense<0.000000e+00> : vector<256xf32>
    %reduce_sum3A_122 = vector.multi_reduction <add>, %exp3A, %reduce_sum3A [1] : vector<256x8xf32> to vector<256xf32>
    %broadcast_in_dim3A_123 = vector.shape_cast %reduce_sum3A_122 : vector<256xf32> to vector<256x1xf32>
    %div3A = vector.broadcast %broadcast_in_dim3A_123 : vector<256x1xf32> to vector<256x8xf32>
    %div3A_124 = arith.divf %exp3A, %div3A : vector<256x8xf32>
    %swap3A = arith.constant 0 : index
    %swap3A_125 = arith.constant 0 : index
    %swap3A_126 = vector.load %arg2[%swap3A, %swap3A_125] : memref<256x8xf32, #tpu.memory_space<vmem>>, vector<256x8xf32>
    tpu.vector_store %arg2[%swap3A, %swap3A_125], %div3A_124 {strides = array<i32>} : memref<256x8xf32, #tpu.memory_space<vmem>>, vector<256x8xf32>,
    %concatenate3A_127 = tpu.concatenate %broadcast_in_dim3A_6, %broadcast_in_dim3A_22, %broadcast_in_dim3A_38, %broadcast_in_dim3A_54, %broadcast_in_dim3A_70, %broadcast_in_dim3A_86, %broadcast_in_dim3A_102, %broadcast_in_dim3A_118 in 1 : vector<256x1xf32>, vector<256x1xf32>, vector<256x1xf32>, vector<256x1xf32>, vector<256x1xf32>, vector<256x1xf32>, vector<256x1xf32>, vector<256x1xf32> -> vector<256x8xf32>
    %convert_element_type3A_128 = arith.fptosi %concatenate3A_127 : vector<256x8xf32> to vector<256x8xi32>
    %swap3A_129 = arith.constant 0 : index
    %swap3A_130 = arith.constant 0 : index
    %swap3A_131 = vector.load %arg3[%swap3A_129, %swap3A_130] : memref<256x8xi32, #tpu.memory_space<vmem>>, vector<256x8xi32>
    tpu.vector_store %arg3[%swap3A_129, %swap3A_130], %convert_element_type3A_128 {strides = array<i32>} : memref<256x8xi32, #tpu.memory_space<vmem>>, vector<256x8xi32>,
    return
  }
  func.func @transform_0(%arg0: i32) -> (i32, i32) {
    %c0_i32 = arith.constant 0 : i32
    %c0_i32_0 = arith.constant 0 : i32
    return %arg0, %c0_i32 : i32, i32
  }
  func.func @transform_1(%arg0: i32) -> (i32, i32) {
    %c0_i32 = arith.constant 0 : i32
    %c0_i32_0 = arith.constant 0 : i32
    return %arg0, %c0_i32 : i32, i32
  }
  func.func @transform_2(%arg0: i32) -> (i32, i32) {
    %c0_i32 = arith.constant 0 : i32
    %c0_i32_0 = arith.constant 0 : i32
    return %arg0, %c0_i32 : i32, i32
  }
}

</mosaic_0001>

<sc_bundles>
// kernel: kernel.4.cloned.1.call-start
scs
__scs_entry_jumppad:
0x0: {  	(pc) =	sbr.rel $0x88, $3  }
0x1: {  	(tag) =	ssettag $0x0;
	lr =	simm.s32 $0x1  }
0x2: {  	[smem:$0x3FA0] =	sst lr;
	_ =	strace $0xD0000000  }
0x3: {  	_ = 	snop  }
0x4: {  	_ = 	snop  }
0x5: {  	_ = 	snop  }
0x6: {  	_ = 	snop  }
0x7: {  	_ = 	snop  }
__scs_overlays_trampoline_lowered:
0x8: {  	[smem:$0x3FAF] =	sst s0  }
0x9: {  	[smem:$0x3FB0] =	sst s1  }
0xa: {  	[smem:$0x3FB1] =	sst s2  }
0xb: {  	[smem:$0x3FB2] =	sst s3  }
0xc: {  	[smem:$0x3FB3] =	sst s4  }
0xd: {  	[smem:$0x3FB4] =	sst s5  }
0xe: {  	[smem:$0x3FB5] =	sst s6  }
0xf: {  	[smem:$0x3FB6] =	sst s7  }
0x10: {  	[smem:$0x3FB7] =	sst s8  }
0x11: {  	[smem:$0x3FB8] =	sst s9;
	s0 =	simm.s32 @!p0 $0x0  }
0x12: {  	s1 =	sld [smem:$0x3F9E];
	s0 =	simm.s32 @p0 $0x1  }
0x13: {  	[smem:$0x3FB9] =	sst s0;
	s0 =	simm.s32 @!p1 $0x0  }
0x14: {  	s2 =	sld [smem:$0x3F9D];
	s0 =	simm.s32 @p1 $0x1  }
0x15: {  	[smem:$0x3FBA] =	sst s0;
	s0 =	simm.s32 @!p2 $0x0  }
0x16: {  	s3 =	sld [smem:$0x3FDB];
	s0 =	simm.s32 @p2 $0x1  }
0x17: {  	s4 =	simm.s32 $0x1BF5;
	[smem:$0x3FBC] =	sst s0  }
0x18: {  	s0 =	sld [smem:$0x3F9F];
	_ =	swait.ge [sflag:s4], $0x0  }
0x19: {  	s7 =	sld [smem:$0x3FA0]  }
0x1a: {  	s8 =	sadd.s32 $0xFFFFE003, lr  }
0x1b: {  	s9 =	sadd.s32 $0xFFFFFEF7, lr;
	s5 =	simm.s32 $0xFFFFFFFF;
	p2 =	slt.u32 s8, $0xFFFFF086  }
0x1c: {  	p1 =	slt.u32 s9, $0xF7A;
	s5 =	simm.s32 @!p2 $0x0  }
0x1d: {  	s5 =	simm.s32 @p1 $0x1;
	p0 =	seq.s32 s7, s2  }
0x1e: {  	s7 =	smul.u32 @!p0 $0xF7A, s2;
	p2 =	seq.s32 @!p0 s5, $0x0  }
0x1f: {  	s9 =	smul.u32 $0xF7A, s1;
	s8 =	simm.s32 @!p0 $0x1BF5;
	p2 =	por !p2, p0  }
0x20: {  	[sflag:s8] =	ssyncset.s32 @!p0 $0xFFFFF086;
	s6 =	sadd.s32 @!p0 s3, s7;
	s7 =	simm.s32 @!p0 $0x108  }
0x21: {  	s3 =	sadd.s32 s3, s9;
	s6 =	sadd.s32 @!p0 $0x88, s6;
	s7 =	simm.s32 @p2 $0x1082  }
0x22: {  	[simem:s7], [sflag:s8] =	dma.local @!p0 [hbm:s6], $0xF7A  }
0x23: {  	s9 =	sor.u32 $0xD0000000, s2;
	s6 =	simm.s32 $0x108;
	_ =	swait.ge @!p0 [sflag:s8], $0x0  }
0x24: {  	s3 =	sadd.s32 $0x88, s3;
	s6 =	simm.s32 @!p1 $0x1082;
	[sflag:s4] =	ssyncset.s32 $0xFFFFF086  }
0x25: {  	[simem:s6], [sflag:s4] =	dma.local [hbm:s3], $0xF7A  }
0x26: {  	[smem:$0x3FA0] =	sst s1;
	(tag) =	ssettag s2;
	_ =	strace s9  }
0x27: {  	s1 =	sld [smem:$0x3FB0]  }
0x28: {  	s2 =	sld [smem:$0x3FB1]  }
0x29: {  	s4 =	sld [smem:$0x3FB3]  }
0x2a: {  	p0 =	seq.s32 s5, $0x0;
	s5 =	sld [smem:$0x3FB4]  }
0x2b: {  	s6 =	sld [smem:$0x3FB5]  }
0x2c: {  	s7 =	sld [smem:$0x3FB6]  }
0x2d: {  	s3 =	simm.s32 $0x108;
	s8 =	sld [smem:$0x3FB7]  }
0x2e: {  	s3 =	simm.s32 @!p0 $0x1082;
	s9 =	sld [smem:$0x3FB8]  }
0x2f: {  	lr =	sadd.s32 s0, s3;
	s0 =	sld [smem:$0x3FAF]  }
0x30: {  	s3 =	sld [smem:$0x3FB2]  }
0x31: {  	[smem:$0x3FBB] =	sst s10  }
0x32: {  	s10 =	sld [smem:$0x3FB9];
	_ =	sdelay $0x3  }
0x33: {  	p0 =	seq.s32 s10, $0x1;
	s10 =	sld [smem:$0x3FBB];
	_ =	sdelay $0x3  }
0x34: {  	[smem:$0x3FBB] =	sst s10  }
0x35: {  	s10 =	sld [smem:$0x3FBA];
	_ =	sdelay $0x3  }
0x36: {  	p1 =	seq.s32 s10, $0x1;
	s10 =	sld [smem:$0x3FBB];
	_ =	sdelay $0x3  }
0x37: {  	[smem:$0x3FBB] =	sst s10  }
0x38: {  	s10 =	sld [smem:$0x3FBC]  }
0x39: {  	_ = 	snop;
	(pc) =	sbr.ind lr, $3  }
0x3a: {  	_ = 	snop  }
0x3b: {  	_ = 	snop  }
0x3c: {  	p2 =	seq.s32 s10, $0x1;
	s10 =	sld [smem:$0x3FBB]  }
0x3d: {  	_ =	shalt  }
0x3e: {  	_ =	shalt  }
0x3f: {  	_ =	shalt  }
0x40: {  	_ =	shalt  }
0x41: {  	_ =	shalt  }
0x42: {  	_ =	shalt  }
0x43: {  	_ =	shalt  }
0x44: {  	_ =	shalt  }
0x45: {  	_ =	shalt  }
0x46: {  	_ =	shalt  }
0x47: {  	_ =	shalt  }
0x48: {  	_ =	shalt  }
0x49: {  	_ =	shalt  }
0x4a: {  	_ =	shalt  }
0x4b: {  	_ =	shalt  }
0x4c: {  	_ =	shalt  }
0x4d: {  	_ =	shalt  }
0x4e: {  	_ =	shalt  }
0x4f: {  	_ =	shalt  }
0x50: {  	_ =	shalt  }
0x51: {  	_ =	shalt  }
0x52: {  	_ =	shalt  }
0x53: {  	_ =	shalt  }
0x54: {  	_ =	shalt  }
0x55: {  	_ =	shalt  }
0x56: {  	_ =	shalt  }
0x57: {  	_ =	shalt  }
0x58: {  	_ =	shalt  }
0x59: {  	_ =	shalt  }
0x5a: {  	_ =	shalt  }
0x5b: {  	_ =	shalt  }
0x5c: {  	_ =	shalt  }
0x5d: {  	_ =	shalt  }
0x5e: {  	_ =	shalt  }
0x5f: {  	_ =	shalt  }
0x60: {  	_ =	shalt  }
0x61: {  	_ =	shalt  }
0x62: {  	_ =	shalt  }
0x63: {  	_ =	shalt  }
0x64: {  	_ =	shalt  }
0x65: {  	_ =	shalt  }
0x66: {  	_ =	shalt  }
0x67: {  	_ =	shalt  }
0x68: {  	_ =	shalt  }
0x69: {  	_ =	shalt  }
0x6a: {  	_ =	shalt  }
0x6b: {  	_ =	shalt  }
0x6c: {  	_ =	shalt  }
0x6d: {  	_ =	shalt  }
0x6e: {  	_ =	shalt  }
0x6f: {  	_ =	shalt  }
0x70: {  	_ =	shalt  }
0x71: {  	_ =	shalt  }
0x72: {  	_ =	shalt  }
0x73: {  	_ =	shalt  }
0x74: {  	_ =	shalt  }
0x75: {  	_ =	shalt  }
0x76: {  	_ =	shalt  }
0x77: {  	_ =	shalt  }
0x78: {  	_ =	shalt  }
0x79: {  	_ =	shalt  }
0x7a: {  	_ =	shalt  }
0x7b: {  	_ =	shalt  }
0x7c: {  	_ =	shalt  }
0x7d: {  	_ =	shalt  }
0x7e: {  	_ =	shalt  }
0x7f: {  	_ =	shalt  }
0x80: {  	_ =	shalt  }
0x81: {  	_ =	shalt  }
0x82: {  	_ =	shalt  }
0x83: {  	_ =	shalt  }
0x84: {  	_ =	shalt  }
0x85: {  	_ =	shalt  }
0x86: {  	_ =	shalt  }
0x87: {  	_ =	shalt  }
.Lfunc_end0:
.L_simem_size_0:
called_computation_lowered:
.L_overlay_start_0:
0x88: {  	s2 =	sld [smem:$0x3FD9]  }
0x89: {  	s3 =	sld [smem:$0x3FFE];
	_ =	sdelay $0x1  }
0x8a: {  	s1 =	srdreg.scid  }
0x8b: {  	s0 =	sand.u32 $0x1, s1  }
0x8c: {  	s17 =	sshll.u32 s0, $0xA;
	s2 =	sadd.s32 s3, s2  }
0x8d: {  	s2 =	sadd.s32 s2, s17  }
0x8e: {  	[smem:$0x3FC7] =	sst s2  }
0x8f: {  	_ = 	snop  }
0x90: {  	s2 =	sld [smem:$0x3FD0];
	(tm) =	ssettm $0x1  }
0x91: {  	s18 =	sld [smem:$0x3FFB];
	_ =	sdelay $0x3  }
0x92: {  	_ =	strace s18  }
0x93: {  	s3 =	sld [smem:$0x3FFC];
	_ =	sdelay $0x3  }
0x94: {  	_ =	strace s3  }
0x95: {  	s3 =	sld [smem:$0x3FFD];
	_ =	sdelay $0x3  }
0x96: {  	_ =	strace s3  }
0x97: {  	_ =	strace $0x8FFFFFFF  }
0x98: {  	s19 =	sld [smem:$0x3FDB];
	_ =	sdelay $0x1  }
0x99: {  	s4 =	simm.s32 $_scs_section_size  }
0x9a: {  	s5 =	simm.s32 $_size__tile_overlayer_lowered;
	s6 =	simm.s32 $_tile_overlayer_lowered  }
0x9b: {  	s22 =	simm.s32 $0x1BFF;
	s21 =	sshll.u32 s6, $0x1;
	s3 =	sadd.s32 s4, s19  }
0x9c: {  	s7 =	simm.s32 $0x0;
	s20 =	sshll.u32 s5, $0x1;
	s5 =	sadd.s32 s21, s3  }
0x9d: {  	[timem:s7], [sflag:s22] =	dma.local [hbm:s5], s20  }
0x9e: {  	_ =	swait.ge [sflag:s22], s20  }
0x9f: {  	s4 =	ssub.s32 $0x0, s20;
	[sflag:s22] =	ssyncset.done $0x0  }
0xa0: {  	[sflag:s22] =	ssyncadd.s32 s4;
	_ =	sdelay $0x1  }
0xa1: {  	s23 =	simm.s32 $0x1B8B  }
0xa2: {  	_ =	swait.ge [sflag:s23], $0x1  }
0xa3: {  	[sflag:s23] =	ssyncset.done $0x0  }
0xa4: {  	s25 =	simm.s32 $0x1B8E;
	s24 =	sld [smem:$0x3FFE];
	[sflag:s23] =	ssyncadd.s32 $0xFFFFFFFF  }
0xa5: {  	s26 =	simm.s32 $execute0_lowered;
	[smem:$0x3FD2] =	sst s25  }
0xa6: {  	s5 =	sshll.u32 s26, $0x1;
	_ =	strace $0x80000046;
	[dreg:$0x1] =	wrdreg $0xFFFFFFFF  }
0xa7: {  	s28 =	simm.s32 $_size_execute0_lowered;
	s3 =	sadd.s32 s3, s5;
	[dreg:$0x0] =	wrdreg $0x0  }
0xa8: {  	s5 =	sshll.u32 s28, $0x1;
	[dreg:$0x2] =	wrdreg s3  }
0xa9: {  	[dreg:$0x3] =	wrdreg s5  }
0xaa: {  	[dreg:$0x4] =	wrdreg $0xC0  }
0xab: {  	_ =	task [dreg:s7], $0x5FFFF  }
0xac: {  	[dreg:$0x1] =	wrdreg $0xFFFFFFFF  }
0xad: {  	[dreg:$0x0] =	wrdreg $0x60  }
0xae: {  	[dreg:$0x2] =	wrdreg s24  }
0xaf: {  	[dreg:$0x3] =	wrdreg s2  }
0xb0: {  	[dreg:$0x4] =	wrdreg $0x9  }
0xb1: {  	_ =	task.clear_ibuf [dreg:s7], $0x5FFFF;
	_ =	strace $0x90000046  }
0xb2: {  	s29 =	simm.s32 $0x9;
	_ =	strace $0x80000048  }
0xb3: {  	_ =	swait.ge [sflag:s29], $0x1  }
0xb4: {  	[sflag:s29] =	ssyncadd.s32 $0xFFFFFFFF  }
0xb5: {  	_ =	strace $0x90000048  }
0xb6: {  	_ =	sfence  }
0xb7: {  	s30 =	sld [smem:$0x0];
	_ =	sdelay $0x2  }
0xb8: {  	s31 =	sshll.u32 s1, $0xD;
	s1 =	sshrl.u32 s1, $0x2  }
0xb9: {  	s3 =	sand.u32 $0x4000, s31;
	s1 =	sadd.s32 s1, s30  }
0xba: {  	s0 =	sor.u32 s3, s0;
	s1 =	sshll.u32 s1, $0x11  }
0xbb: {  	s0 =	sor.u32 s1, s0  }
0xbc: {  	s0 =	sadd.s32 $0x8F2B, s0  }
0xbd: {  	[sflag:s0] =	ssyncadd.remote.s32 $0x1  }
0xbe: {  	_ =	sfence.sel $0xFFFF  }
0xbf: {  	[dreg:$0x0] =	wrdreg $0xFFFFFFFF;
	(pc) =	sbr.abs _section_cstart, $3  }
0xc0: {  	[dreg:$0x1] =	wrdreg $0xFFFFFFFF  }
0xc1: {  	_ =	task.clear_ibuf [dreg:s7], $0x2FFFF;
	_ =	strace $0x9FFFFFFF  }
0xc2: {  	(tm) =	ssettm $0x7FFFFFFF  }
0xc3: {  	_ =	shalt  }
tec
execute0_lowered:
.L_overlay_start_1:
0x0: {  	(tag) =	ssettag $0x1  }
0x1: {  	s0 =	rddreg [dreg:$0x0]  }
0x2: {  	s1 =	rddreg [dreg:$0x1]  }
0x3: {  	s2 =	simm.s32 $0x0;
	s3 =	srdreg.scid;
	s4 =	stileid.u32  }
0x4: {  	s28 =	simm.s32 $0x2200;
	s29 =	simm.s32 $0x3200;
	s30 =	simm.s32 $0x1  }
0x5: {  	s31 =	simm.s32 $0x2;
	s3 =	sand.u32 $0x1, s3;
	s4 =	sshll.u32 s4, $0x1  }
0x6: {  	[smem:$0x7FF] =	sst s2;
	s4 =	sor.u32 s3, s4;
	s3 =	ssub.s32 $0x2, s3  }
0x7: {  	_ =	strace $0x80000047;
	s5 =	sshll.u32 s4, $0x5;
	s6 =	sshrl.u32 s3, $0x1  }
0x8: {  	s4 =	sshll.u32 s4, $0xD;
	s0 =	sadd.s32 s5, s0;
	s21 =	ssub.s32 s3, s6  }
0x9: {  	s3 =	sadd.s32 s1, s4;
	s1 =	simm.s32 $0x4;
	s4 =	simm.s32 $0x0  }
0xa: {  	s22 =	sadd.s32 $0x800, s0;
	s0 =	sadd.s32 $0xC00, s0;
	s23 =	sadd.s32 $0x20, s3  }
0xb: {  	s24 =	sadd.s32 $0x40, s3;
	s25 =	sadd.s32 $0x60, s3;
	s26 =	sadd.s32 $0x800, s3  }
0xc: {  	s10 =	sadd.s32 $0x820, s3;
	s11 =	sadd.s32 $0x840, s3;
	[dreg:$0x3] =	wrdreg s22  }
0xd: {  	s12 =	sadd.s32 $0x860, s3;
	s13 =	sadd.s32 $0x1000, s3;
	[dreg:$0x4] =	wrdreg s0  }
0xe: {  	s14 =	sadd.s32 $0x1020, s3;
	s15 =	sadd.s32 $0x1040, s3;
	[dreg:$0x5] =	wrdreg s23  }
0xf: {  	s16 =	sadd.s32 $0x1060, s3;
	s17 =	sadd.s32 $0x1800, s3;
	[dreg:$0x6] =	wrdreg s24  }
0x10: {  	s18 =	sadd.s32 $0x1820, s3;
	s19 =	sadd.s32 $0x1840, s3;
	[dreg:$0x7] =	wrdreg s25  }
0x11: {  	v0 =	vlaneseq.u32;
	s20 =	sadd.s32 $0x1860, s3;
	s21 =	smax.u32 s21, $0x1;
	[dreg:$0x8] =	wrdreg s26  }
0x12: {  	v1 =	vshrl.u32 v0, $0x3;
	s22 =	simm.s32 $0x5;
	s23 =	simm.s32 $0x100;
	s24 =	simm.s32 $0x200  }
0x13: {  	v0 =	vimm.f32 $0.0e+00;
	v1 =	vmul.u32 $0x80, v1;
	s25 =	simm.s32 $0x400;
	s26 =	simm.s32 $0x1200;
	s0 =	simm.s32 $0x3  }
.LBB2_1:
0x14: {  	s5 =	rddreg [dreg:$0x3]  }
0x15: {  	[tilespmem:s2], [sflag:$0x5] =	stream.linear.gather [hbm4b:s5+s2], $0x100, $0x38;
	[tilespmem:$0x4200] =	vst v63  }
0x16: {  	_ =	swait.ge [sflag:s22], $0x100  }
0x17: {  	[sflag:s22] =	ssyncset.done $0x0  }
0x18: {  	s8 =	rddreg [dreg:$0x4];
	[sflag:s22] =	ssyncadd.s32 $0xFFFFFF00  }
0x19: {  	[tilespmem:s23], [sflag:$0x5] =	stream.linear.gather [hbm4b:s8+s2], $0x100, $0x38;
	[tilespmem:$0x4200] =	vst v63  }
0x1a: {  	_ =	swait.ge [sflag:s22], $0x100  }
0x1b: {  	s9 =	sand.u32 $0x70, s2;
	s6 =	sand.u32 $0xF00, s2;
	[sflag:s22] =	ssyncset.done $0x0  }
0x1c: {  	s5 =	sor.u32 s9, s6;
	[sflag:s22] =	ssyncadd.s32 $0xFFFFFF00  }
0x1d: {  	[tilespmem:s5+$0x3280] =	vst v0  }
0x1e: {  	[tilespmem:s5+$0x200] =	vst v0  }
0x1f: {  	[tilespmem:s5+$0x280] =	vst v0  }
0x20: {  	[tilespmem:s5+$0x1200] =	vst v0  }
0x21: {  	[tilespmem:s5+$0x1280] =	vst v0  }
0x22: {  	s7 =	simm.s32 $0x10;
	s6 =	simm.s32 $0x20;
	[tilespmem:s5+$0x2200] =	vst v0  }
0x23: {  	s9 =	sand.u32 $0xF00, s6;
	s8 =	sand.u32 $0x70, s7;
	s7 =	simm.s32 $0x20;
	[tilespmem:s5+$0x2280] =	vst v0  }
.LBB2_2:
0x24: {  	p0 =	sne.s32 s7, $0x7F0;
	[tilespmem:s5+$0x3200] =	vst v0;
	s5 =	sor.u32 s8, s9  }
0x25: {  	[tilespmem:s5+$0x3280] =	vst v0  }
0x26: {  	[tilespmem:s5+$0x200] =	vst v0  }
.Ltmp0:
0x27: {  	[tilespmem:s5+$0x280] =	vst v0;
	(pc) =	sbr.rel @p0 .LBB2_2-.Ltmp0, $4  }
0x28: {  	[tilespmem:s5+$0x1200] =	vst v0  }
0x29: {  	[tilespmem:s5+$0x1280] =	vst v0  }
0x2a: {  	s6 =	sadd.s32 $0x20, s6;
	[tilespmem:s5+$0x2200] =	vst v0  }
0x2b: {  	s8 =	sand.u32 $0x70, s7;
	s7 =	sadd.s32 $0x10, s7;
	s9 =	sand.u32 $0xF00, s6;
	[tilespmem:s5+$0x2280] =	vst v0  }
0x2c: {  	s6 =	sor.u32 s8, s9;
	[tilespmem:s5+$0x3200] =	vst v0  }
0x2d: {  	[tilespmem:s6+$0x3280] =	vst v0  }
0x2e: {  	[tilespmem:s6+$0x200] =	vst v0  }
0x2f: {  	[tilespmem:s6+$0x280] =	vst v0  }
0x30: {  	[tilespmem:s6+$0x1200] =	vst v0  }
0x31: {  	[tilespmem:s6+$0x1280] =	vst v0  }
0x32: {  	[tilespmem:s6+$0x2200] =	vst v0  }
0x33: {  	[tilespmem:s6+$0x2280] =	vst v0  }
0x34: {  	[tilespmem:s6+$0x3200] =	vst v0  }
0x35: {  	v2 =	vld [tilespmem:$0x100];
	_ =	sdelay $0x4  }
0x36: {  	v3 =	vshll.u32 v2, $0x1  }
0x37: {  	v2 =	vand.u32 $0x7F, v2;
	v3 =	vand.u32 $0xFFFFFF00, v3  }
0x38: {  	v2 =	vor.u32 v3, v2  }
0x39: {  	v3 =	vld [tilespmem:$0x0];
	v2 =	vor.u32 v1, v2;
	_ =	sdelay $0x4  }
0x3a: {  	[tilespmem:v2+s24+$0x0] =	vst.idx.msk $0xffff, v3  }
0x3b: {  	[hbm4b:s3+s23] =	stream.strided.scatter [tilespmem:s24], [sflag:$0x1], $0x1000, s25, s23, $0x38;
	[tilespmem:$0x4200] =	vst v63  }
0x3c: {  	v2 =	vld [tilespmem:$0x110];
	_ =	sdelay $0x4  }
0x3d: {  	v3 =	vshll.u32 v2, $0x1  }
0x3e: {  	v2 =	vand.u32 $0x7F, v2;
	v3 =	vand.u32 $0xFFFFFF00, v3  }
0x3f: {  	v2 =	vor.u32 v3, v2  }
0x40: {  	v3 =	vld [tilespmem:$0x10];
	v2 =	vor.u32 v1, v2;
	_ =	sdelay $0x4  }
0x41: {  	s6 =	rddreg [dreg:$0x5];
	[tilespmem:v2+s26+$0x0] =	vst.idx.msk $0xffff, v3  }
0x42: {  	[hbm4b:s6+s23] =	stream.strided.scatter [tilespmem:s26], [sflag:$0x2], $0x1000, s25, s23, $0x38;
	[tilespmem:$0x4200] =	vst v63  }
0x43: {  	v2 =	vld [tilespmem:$0x120];
	_ =	sdelay $0x4  }
0x44: {  	v3 =	vshll.u32 v2, $0x1  }
0x45: {  	v2 =	vand.u32 $0x7F, v2;
	v3 =	vand.u32 $0xFFFFFF00, v3  }
0x46: {  	v2 =	vor.u32 v3, v2  }
0x47: {  	v3 =	vld [tilespmem:$0x20];
	v2 =	vor.u32 v1, v2;
	_ =	sdelay $0x4  }
0x48: {  	s7 =	rddreg [dreg:$0x6];
	[tilespmem:v2+s28+$0x0] =	vst.idx.msk $0xffff, v3  }
0x49: {  	[hbm4b:s7+s23] =	stream.strided.scatter [tilespmem:s28], [sflag:$0x3], $0x1000, s25, s23, $0x38;
	[tilespmem:$0x4200] =	vst v63  }
0x4a: {  	v2 =	vld [tilespmem:$0x130];
	_ =	sdelay $0x4  }
0x4b: {  	v3 =	vshll.u32 v2, $0x1  }
0x4c: {  	v2 =	vand.u32 $0x7F, v2;
	v3 =	vand.u32 $0xFFFFFF00, v3  }
0x4d: {  	v2 =	vor.u32 v3, v2  }
0x4e: {  	v3 =	vld [tilespmem:$0x30];
	v2 =	vor.u32 v1, v2;
	_ =	sdelay $0x4  }
0x4f: {  	s8 =	rddreg [dreg:$0x7];
	[tilespmem:v2+s29+$0x0] =	vst.idx.msk $0xffff, v3  }
0x50: {  	[hbm4b:s8+s23] =	stream.strided.scatter [tilespmem:s29], [sflag:$0x4], $0x1000, s25, s23, $0x38;
	[tilespmem:$0x4200] =	vst v63  }
0x51: {  	_ =	swait.ge [sflag:s30], $0x1000  }
0x52: {  	[sflag:s30] =	ssyncset.done $0x0  }
0x53: {  	[sflag:s30] =	ssyncadd.s32 $0xFFFFF000  }
0x54: {  	v2 =	vld [tilespmem:$0x100];
	_ =	sdelay $0x4  }
0x55: {  	v3 =	vshll.u32 v2, $0x1  }
0x56: {  	v2 =	vand.u32 $0x7F, v2;
	v3 =	vand.u32 $0xFFFFFF00, v3  }
0x57: {  	v2 =	vor.u32 v3, v2  }
0x58: {  	v2 =	vor.u32 v1, v2;
	_ =	sdelay $0x4  }
0x59: {  	[tilespmem:v2+s24+$0x0] =	vst.idx.msk $0xffff, v0  }
0x5a: {  	v2 =	vld [tilespmem:$0x140];
	_ =	sdelay $0x4  }
0x5b: {  	v3 =	vshll.u32 v2, $0x1  }
0x5c: {  	v2 =	vand.u32 $0x7F, v2;
	v3 =	vand.u32 $0xFFFFFF00, v3  }
0x5d: {  	v2 =	vor.u32 v3, v2  }
0x5e: {  	v3 =	vld [tilespmem:$0x40];
	v2 =	vor.u32 v1, v2;
	_ =	sdelay $0x4  }
0x5f: {  	s9 =	rddreg [dreg:$0x8];
	[tilespmem:v2+s24+$0x0] =	vst.idx.msk $0xffff, v3  }
0x60: {  	[hbm4b:s9+s23] =	stream.strided.scatter [tilespmem:s24], [sflag:$0x1], $0x1000, s25, s23, $0x38;
	[tilespmem:$0x4200] =	vst v63  }
0x61: {  	_ =	swait.ge [sflag:s31], $0x1000  }
0x62: {  	[sflag:s31] =	ssyncset.done $0x0  }
0x63: {  	[sflag:s31] =	ssyncadd.s32 $0xFFFFF000  }
0x64: {  	v2 =	vld [tilespmem:$0x110];
	_ =	sdelay $0x4  }
0x65: {  	v3 =	vshll.u32 v2, $0x1  }
0x66: {  	v2 =	vand.u32 $0x7F, v2;
	v3 =	vand.u32 $0xFFFFFF00, v3  }
0x67: {  	v2 =	vor.u32 v3, v2  }
0x68: {  	v2 =	vor.u32 v1, v2;
	_ =	sdelay $0x4  }
0x69: {  	[tilespmem:v2+s26+$0x0] =	vst.idx.msk $0xffff, v0  }
0x6a: {  	v2 =	vld [tilespmem:$0x150];
	_ =	sdelay $0x4  }
0x6b: {  	v3 =	vshll.u32 v2, $0x1  }
0x6c: {  	v2 =	vand.u32 $0x7F, v2;
	v3 =	vand.u32 $0xFFFFFF00, v3  }
0x6d: {  	v2 =	vor.u32 v3, v2  }
0x6e: {  	v3 =	vld [tilespmem:$0x50];
	v2 =	vor.u32 v1, v2;
	_ =	sdelay $0x4  }
0x6f: {  	[tilespmem:v2+s26+$0x0] =	vst.idx.msk $0xffff, v3  }
0x70: {  	[hbm4b:s10+s23] =	stream.strided.scatter [tilespmem:s26], [sflag:$0x2], $0x1000, s25, s23, $0x38;
	[tilespmem:$0x4200] =	vst v63  }
0x71: {  	_ =	swait.ge [sflag:s0], $0x1000  }
0x72: {  	[sflag:s0] =	ssyncset.done $0x0  }
0x73: {  	[sflag:s0] =	ssyncadd.s32 $0xFFFFF000  }
0x74: {  	v2 =	vld [tilespmem:$0x120];
	_ =	sdelay $0x4  }
0x75: {  	v3 =	vshll.u32 v2, $0x1  }
0x76: {  	v2 =	vand.u32 $0x7F, v2;
	v3 =	vand.u32 $0xFFFFFF00, v3  }
0x77: {  	v2 =	vor.u32 v3, v2  }
0x78: {  	v2 =	vor.u32 v1, v2;
	_ =	sdelay $0x4  }
0x79: {  	[tilespmem:v2+s28+$0x0] =	vst.idx.msk $0xffff, v0  }
0x7a: {  	v2 =	vld [tilespmem:$0x160];
	_ =	sdelay $0x4  }
0x7b: {  	v3 =	vshll.u32 v2, $0x1  }
0x7c: {  	v2 =	vand.u32 $0x7F, v2;
	v3 =	vand.u32 $0xFFFFFF00, v3  }
0x7d: {  	v2 =	vor.u32 v3, v2  }
0x7e: {  	v3 =	vld [tilespmem:$0x60];
	v2 =	vor.u32 v1, v2;
	_ =	sdelay $0x4  }
0x7f: {  	[tilespmem:v2+s28+$0x0] =	vst.idx.msk $0xffff, v3  }
0x80: {  	[hbm4b:s11+s23] =	stream.strided.scatter [tilespmem:s28], [sflag:$0x3], $0x1000, s25, s23, $0x38;
	[tilespmem:$0x4200] =	vst v63  }
0x81: {  	_ =	swait.ge [sflag:s1], $0x1000  }
0x82: {  	[sflag:s1] =	ssyncset.done $0x0  }
0x83: {  	[sflag:s1] =	ssyncadd.s32 $0xFFFFF000  }
0x84: {  	v2 =	vld [tilespmem:$0x130];
	_ =	sdelay $0x4  }
0x85: {  	v3 =	vshll.u32 v2, $0x1  }
0x86: {  	v2 =	vand.u32 $0x7F, v2;
	v3 =	vand.u32 $0xFFFFFF00, v3  }
0x87: {  	v2 =	vor.u32 v3, v2  }
0x88: {  	v2 =	vor.u32 v1, v2;
	_ =	sdelay $0x4  }
0x89: {  	[tilespmem:v2+s29+$0x0] =	vst.idx.msk $0xffff, v0  }
0x8a: {  	v2 =	vld [tilespmem:$0x170];
	_ =	sdelay $0x4  }
0x8b: {  	v3 =	vshll.u32 v2, $0x1  }
0x8c: {  	v2 =	vand.u32 $0x7F, v2;
	v3 =	vand.u32 $0xFFFFFF00, v3  }
0x8d: {  	v2 =	vor.u32 v3, v2  }
0x8e: {  	v3 =	vld [tilespmem:$0x70];
	v2 =	vor.u32 v1, v2;
	_ =	sdelay $0x4  }
0x8f: {  	[tilespmem:v2+s29+$0x0] =	vst.idx.msk $0xffff, v3  }
0x90: {  	[hbm4b:s12+s23] =	stream.strided.scatter [tilespmem:s29], [sflag:$0x4], $0x1000, s25, s23, $0x38;
	[tilespmem:$0x4200] =	vst v63  }
0x91: {  	_ =	swait.ge [sflag:s30], $0x1000  }
0x92: {  	[sflag:s30] =	ssyncset.done $0x0  }
0x93: {  	[sflag:s30] =	ssyncadd.s32 $0xFFFFF000  }
0x94: {  	v2 =	vld [tilespmem:$0x140];
	_ =	sdelay $0x4  }
0x95: {  	v3 =	vshll.u32 v2, $0x1  }
0x96: {  	v2 =	vand.u32 $0x7F, v2;
	v3 =	vand.u32 $0xFFFFFF00, v3  }
0x97: {  	v2 =	vor.u32 v3, v2  }
0x98: {  	v2 =	vor.u32 v1, v2;
	_ =	sdelay $0x4  }
0x99: {  	[tilespmem:v2+s24+$0x0] =	vst.idx.msk $0xffff, v0  }
0x9a: {  	v2 =	vld [tilespmem:$0x180];
	_ =	sdelay $0x4  }
0x9b: {  	v3 =	vshll.u32 v2, $0x1  }
0x9c: {  	v2 =	vand.u32 $0x7F, v2;
	v3 =	vand.u32 $0xFFFFFF00, v3  }
0x9d: {  	v2 =	vor.u32 v3, v2  }
0x9e: {  	v3 =	vld [tilespmem:$0x80];
	v2 =	vor.u32 v1, v2;
	_ =	sdelay $0x4  }
0x9f: {  	[tilespmem:v2+s24+$0x0] =	vst.idx.msk $0xffff, v3  }
0xa0: {  	[hbm4b:s13+s23] =	stream.strided.scatter [tilespmem:s24], [sflag:$0x1], $0x1000, s25, s23, $0x38;
	[tilespmem:$0x4200] =	vst v63  }
0xa1: {  	_ =	swait.ge [sflag:s31], $0x1000  }
0xa2: {  	[sflag:s31] =	ssyncset.done $0x0  }
0xa3: {  	[sflag:s31] =	ssyncadd.s32 $0xFFFFF000  }
0xa4: {  	v2 =	vld [tilespmem:$0x150];
	_ =	sdelay $0x4  }
0xa5: {  	v3 =	vshll.u32 v2, $0x1  }
0xa6: {  	v2 =	vand.u32 $0x7F, v2;
	v3 =	vand.u32 $0xFFFFFF00, v3  }
0xa7: {  	v2 =	vor.u32 v3, v2  }
0xa8: {  	v2 =	vor.u32 v1, v2;
	_ =	sdelay $0x4  }
0xa9: {  	[tilespmem:v2+s26+$0x0] =	vst.idx.msk $0xffff, v0  }
0xaa: {  	v2 =	vld [tilespmem:$0x190];
	_ =	sdelay $0x4  }
0xab: {  	v3 =	vshll.u32 v2, $0x1  }
0xac: {  	v2 =	vand.u32 $0x7F, v2;
	v3 =	vand.u32 $0xFFFFFF00, v3  }
0xad: {  	v2 =	vor.u32 v3, v2  }
0xae: {  	v3 =	vld [tilespmem:$0x90];
	v2 =	vor.u32 v1, v2;
	_ =	sdelay $0x4  }
0xaf: {  	[tilespmem:v2+s26+$0x0] =	vst.idx.msk $0xffff, v3  }
0xb0: {  	[hbm4b:s14+s23] =	stream.strided.scatter [tilespmem:s26], [sflag:$0x2], $0x1000, s25, s23, $0x38;
	[tilespmem:$0x4200] =	vst v63  }
0xb1: {  	_ =	swait.ge [sflag:s0], $0x1000  }
0xb2: {  	[sflag:s0] =	ssyncset.done $0x0  }
0xb3: {  	[sflag:s0] =	ssyncadd.s32 $0xFFFFF000  }
0xb4: {  	v2 =	vld [tilespmem:$0x160];
	_ =	sdelay $0x4  }
0xb5: {  	v3 =	vshll.u32 v2, $0x1  }
0xb6: {  	v2 =	vand.u32 $0x7F, v2;
	v3 =	vand.u32 $0xFFFFFF00, v3  }
0xb7: {  	v2 =	vor.u32 v3, v2  }
0xb8: {  	v2 =	vor.u32 v1, v2;
	_ =	sdelay $0x4  }
0xb9: {  	[tilespmem:v2+s28+$0x0] =	vst.idx.msk $0xffff, v0  }
0xba: {  	v2 =	vld [tilespmem:$0x1A0];
	_ =	sdelay $0x4  }
0xbb: {  	v3 =	vshll.u32 v2, $0x1  }
0xbc: {  	v2 =	vand.u32 $0x7F, v2;
	v3 =	vand.u32 $0xFFFFFF00, v3  }
0xbd: {  	v2 =	vor.u32 v3, v2  }
0xbe: {  	v3 =	vld [tilespmem:$0xA0];
	v2 =	vor.u32 v1, v2;
	_ =	sdelay $0x4  }
0xbf: {  	[tilespmem:v2+s28+$0x0] =	vst.idx.msk $0xffff, v3  }
0xc0: {  	[hbm4b:s15+s23] =	stream.strided.scatter [tilespmem:s28], [sflag:$0x3], $0x1000, s25, s23, $0x38;
	[tilespmem:$0x4200] =	vst v63  }
0xc1: {  	_ =	swait.ge [sflag:s1], $0x1000  }
0xc2: {  	[sflag:s1] =	ssyncset.done $0x0  }
0xc3: {  	[sflag:s1] =	ssyncadd.s32 $0xFFFFF000  }
0xc4: {  	v2 =	vld [tilespmem:$0x170];
	_ =	sdelay $0x4  }
0xc5: {  	v3 =	vshll.u32 v2, $0x1  }
0xc6: {  	v2 =	vand.u32 $0x7F, v2;
	v3 =	vand.u32 $0xFFFFFF00, v3  }
0xc7: {  	v2 =	vor.u32 v3, v2  }
0xc8: {  	v2 =	vor.u32 v1, v2;
	_ =	sdelay $0x4  }
0xc9: {  	[tilespmem:v2+s29+$0x0] =	vst.idx.msk $0xffff, v0  }
0xca: {  	v2 =	vld [tilespmem:$0x1B0];
	_ =	sdelay $0x4  }
0xcb: {  	v3 =	vshll.u32 v2, $0x1  }
0xcc: {  	v2 =	vand.u32 $0x7F, v2;
	v3 =	vand.u32 $0xFFFFFF00, v3  }
0xcd: {  	v2 =	vor.u32 v3, v2  }
0xce: {  	v3 =	vld [tilespmem:$0xB0];
	v2 =	vor.u32 v1, v2;
	_ =	sdelay $0x4  }
0xcf: {  	[tilespmem:v2+s29+$0x0] =	vst.idx.msk $0xffff, v3  }
0xd0: {  	[hbm4b:s16+s23] =	stream.strided.scatter [tilespmem:s29], [sflag:$0x4], $0x1000, s25, s23, $0x38;
	[tilespmem:$0x4200] =	vst v63  }
0xd1: {  	_ =	swait.ge [sflag:s30], $0x1000  }
0xd2: {  	[sflag:s30] =	ssyncset.done $0x0  }
0xd3: {  	[sflag:s30] =	ssyncadd.s32 $0xFFFFF000  }
0xd4: {  	v2 =	vld [tilespmem:$0x180];
	_ =	sdelay $0x4  }
0xd5: {  	v3 =	vshll.u32 v2, $0x1  }
0xd6: {  	v2 =	vand.u32 $0x7F, v2;
	v3 =	vand.u32 $0xFFFFFF00, v3  }
0xd7: {  	v2 =	vor.u32 v3, v2  }
0xd8: {  	v2 =	vor.u32 v1, v2;
	_ =	sdelay $0x4  }
0xd9: {  	[tilespmem:v2+s24+$0x0] =	vst.idx.msk $0xffff, v0  }
0xda: {  	v2 =	vld [tilespmem:$0x1C0];
	_ =	sdelay $0x4  }
0xdb: {  	v3 =	vshll.u32 v2, $0x1  }
0xdc: {  	v2 =	vand.u32 $0x7F, v2;
	v3 =	vand.u32 $0xFFFFFF00, v3  }
0xdd: {  	v2 =	vor.u32 v3, v2  }
0xde: {  	v3 =	vld [tilespmem:$0xC0];
	v2 =	vor.u32 v1, v2;
	_ =	sdelay $0x4  }
0xdf: {  	[tilespmem:v2+s24+$0x0] =	vst.idx.msk $0xffff, v3  }
0xe0: {  	[hbm4b:s17+s23] =	stream.strided.scatter [tilespmem:s24], [sflag:$0x1], $0x1000, s25, s23, $0x38;
	[tilespmem:$0x4200] =	vst v63  }
0xe1: {  	_ =	swait.ge [sflag:s31], $0x1000  }
0xe2: {  	[sflag:s31] =	ssyncset.done $0x0  }
0xe3: {  	[sflag:s31] =	ssyncadd.s32 $0xFFFFF000  }
0xe4: {  	v2 =	vld [tilespmem:$0x190];
	_ =	sdelay $0x4  }
0xe5: {  	v3 =	vshll.u32 v2, $0x1  }
0xe6: {  	v2 =	vand.u32 $0x7F, v2;
	v3 =	vand.u32 $0xFFFFFF00, v3  }
0xe7: {  	v2 =	vor.u32 v3, v2  }
0xe8: {  	v2 =	vor.u32 v1, v2;
	_ =	sdelay $0x4  }
0xe9: {  	[tilespmem:v2+s26+$0x0] =	vst.idx.msk $0xffff, v0  }
0xea: {  	v2 =	vld [tilespmem:$0x1D0];
	_ =	sdelay $0x4  }
0xeb: {  	v3 =	vshll.u32 v2, $0x1  }
0xec: {  	v2 =	vand.u32 $0x7F, v2;
	v3 =	vand.u32 $0xFFFFFF00, v3  }
0xed: {  	v2 =	vor.u32 v3, v2  }
0xee: {  	v3 =	vld [tilespmem:$0xD0];
	v2 =	vor.u32 v1, v2;
	_ =	sdelay $0x4  }
0xef: {  	[tilespmem:v2+s26+$0x0] =	vst.idx.msk $0xffff, v3  }
0xf0: {  	[hbm4b:s18+s23] =	stream.strided.scatter [tilespmem:s26], [sflag:$0x2], $0x1000, s25, s23, $0x38;
	[tilespmem:$0x4200] =	vst v63  }
0xf1: {  	_ =	swait.ge [sflag:s0], $0x1000  }
0xf2: {  	[sflag:s0] =	ssyncset.done $0x0  }
0xf3: {  	[sflag:s0] =	ssyncadd.s32 $0xFFFFF000  }
0xf4: {  	v2 =	vld [tilespmem:$0x1A0];
	_ =	sdelay $0x4  }
0xf5: {  	v3 =	vshll.u32 v2, $0x1  }
0xf6: {  	v2 =	vand.u32 $0x7F, v2;
	v3 =	vand.u32 $0xFFFFFF00, v3  }
0xf7: {  	v2 =	vor.u32 v3, v2  }
0xf8: {  	v2 =	vor.u32 v1, v2;
	_ =	sdelay $0x4  }
0xf9: {  	[tilespmem:v2+s28+$0x0] =	vst.idx.msk $0xffff, v0  }
0xfa: {  	v2 =	vld [tilespmem:$0x1E0];
	_ =	sdelay $0x4  }
0xfb: {  	v3 =	vshll.u32 v2, $0x1  }
0xfc: {  	v2 =	vand.u32 $0x7F, v2;
	v3 =	vand.u32 $0xFFFFFF00, v3  }
0xfd: {  	v2 =	vor.u32 v3, v2  }
0xfe: {  	v3 =	vld [tilespmem:$0xE0];
	v2 =	vor.u32 v1, v2;
	_ =	sdelay $0x4  }
0xff: {  	[tilespmem:v2+s28+$0x0] =	vst.idx.msk $0xffff, v3  }
0x100: {  	[hbm4b:s19+s23] =	stream.strided.scatter [tilespmem:s28], [sflag:$0x3], $0x1000, s25, s23, $0x38;
	[tilespmem:$0x4200] =	vst v63  }
0x101: {  	_ =	swait.ge [sflag:s1], $0x1000  }
0x102: {  	[sflag:s1] =	ssyncset.done $0x0  }
0x103: {  	[sflag:s1] =	ssyncadd.s32 $0xFFFFF000  }
0x104: {  	v2 =	vld [tilespmem:$0x1B0];
	_ =	sdelay $0x4  }
0x105: {  	v3 =	vshll.u32 v2, $0x1  }
0x106: {  	v2 =	vand.u32 $0x7F, v2;
	v3 =	vand.u32 $0xFFFFFF00, v3  }
0x107: {  	v2 =	vor.u32 v3, v2  }
0x108: {  	v2 =	vor.u32 v1, v2;
	_ =	sdelay $0x4  }
0x109: {  	[tilespmem:v2+s29+$0x0] =	vst.idx.msk $0xffff, v0  }
0x10a: {  	v2 =	vld [tilespmem:$0x1F0];
	_ =	sdelay $0x4  }
0x10b: {  	v3 =	vshll.u32 v2, $0x1  }
0x10c: {  	v2 =	vand.u32 $0x7F, v2;
	v3 =	vand.u32 $0xFFFFFF00, v3  }
0x10d: {  	v2 =	vor.u32 v3, v2  }
0x10e: {  	v3 =	vld [tilespmem:$0xF0];
	v2 =	vor.u32 v1, v2;
	_ =	sdelay $0x4  }
0x10f: {  	[tilespmem:v2+s29+$0x0] =	vst.idx.msk $0xffff, v3  }
0x110: {  	[hbm4b:s20+s23] =	stream.strided.scatter [tilespmem:s29], [sflag:$0x4], $0x1000, s25, s23, $0x38;
	[tilespmem:$0x4200] =	vst v63  }
0x111: {  	_ =	swait.ge [sflag:s30], $0x1000  }
0x112: {  	[sflag:s30] =	ssyncset.done $0x0  }
0x113: {  	[sflag:s30] =	ssyncadd.s32 $0xFFFFF000  }
0x114: {  	_ =	swait.ge [sflag:s31], $0x1000  }
0x115: {  	[sflag:s31] =	ssyncset.done $0x0  }
0x116: {  	s4 =	sadd.s32 $0x1, s4;
	[sflag:s31] =	ssyncadd.s32 $0xFFFFF000  }
0x117: {  	p0 =	sne.s32 s4, s21;
	_ =	swait.ge [sflag:s0], $0x1000  }
.Ltmp1:
0x118: {  	[sflag:s0] =	ssyncset.done $0x0;
	(pc) =	sbr.rel @p0 .LBB2_1-.Ltmp1, $4  }
0x119: {  	[sflag:s0] =	ssyncadd.s32 $0xFFFFF000  }
0x11a: {  	_ =	swait.ge [sflag:s1], $0x1000  }
0x11b: {  	[sflag:s1] =	ssyncset.done $0x0  }
0x11c: {  	[sflag:s1] =	ssyncadd.s32 $0xFFFFF000  }
0x11d: {  	_ =	sfence.sel $0x180000  }
0x11e: {  	[bflag:$0x0] =	sbarrier.arrive $0xFFFF  }
0x11f: {  	_ =	strace $0x90000047  }
0x120: {  	s0 =	stileid.u32;
	[bflag:$0x2] =	sbarrier.arrive $0xFFFF  }
0x121: {  	p0 =	sne.s32 s0, $0x0;
	s0 =	rddreg [dreg:$0x2]  }
0x122: {  	s0 =	sadd.s32 @!p0 $0x100000, s0  }
0x123: {  	[sflag:s0] =	ssyncadd.tile.s32 @!p0 $0x1;
	_ =	shalt  }
.Lfunc_end2:
_tile_overlayer_lowered:
.L_overlay_start_2:
0x124: {  	(tag) =	ssettag $0x2  }
0x125: {  	s0 =	rddreg [dreg:$0x0];
	s2 =	stileid.u32  }
0x126: {  	s1 =	rddreg [dreg:$0x1];
	p0 =	sne.s32 s2, $0x0  }
0x127: {  	s3 =	rddreg [dreg:$0x2];
	[bflag:$0x3] =	sbarrier.arrive $0xFFFF;
	s2 =	simm.s32 @!p0 $0x1C05  }
0x128: {  	[timem:s3], [sflag:s2] =	dma.local @!p0 [hbm:s0], s1  }
0x129: {  	s0 =	simm.s32 @!p0 $0x5  }
0x12a: {  	_ =	swait.ge @!p0 [sflag:s0], s1  }
0x12b: {  	s1 =	ssub.s32 @!p0 $0x0, s1;
	[sflag:s0] =	ssyncset.done @!p0 $0x0  }
0x12c: {  	[sflag:s0] =	ssyncadd.s32 @!p0 s1  }
0x12d: {  	[bflag:$0x3] =	sbarrier.arrive $0xFFFF  }
0x12e: {  	_ =	shalt  }

</sc_bundles>
